<compile_context>
chip_gen: v7x
topology: tpu7x:2x2x1
jax: 0.10.2.dev20260603
libtpu: 0.0.44.dev20260713+nightly
codegen_flags: <defaults>
</compile_context>

<pallas_src>
import functools

import jax
import jax.numpy as jnp
from jax import lax
from jax.experimental import pallas as pl
from jax.experimental.pallas import tpu as pltpu
from jax.experimental.pallas import tpu_sc as plsc

N_NODES = 10000
D = 128
N_PAD = 10240
NW = 32
NS = 16
CHUNK = 128
ROWS_PER_TILE = N_PAD // NS

_mesh = plsc.VectorSubcoreMesh(core_axis_name="c", subcore_axis_name="s")


def _hist_body(totc, ei_hbm, out_hbm, idx_v, ones_v, zbuf_v, hist_sh):
    s = lax.axis_index("s")
    c = lax.axis_index("c")
    w = c * NS + s
    nb = 8 * (totc // (8 * NW))
    left = totc - NW * nb
    ka = left // 8
    rem8 = left % 8
    na = nb + 8
    nchunks = (nb + jnp.where(w < ka, 8, 0)
               + jnp.where(w == NW - 1, rem8, 0))
    base = nb * w + 8 * jnp.minimum(w, ka)

    def fill_ones(i, _):
        ones_v[pl.ds(i * 16, 16)] = jnp.ones((16,), jnp.float32)
        return 0
    lax.fori_loop(0, CHUNK // 16, fill_ones, 0)

    def fill_z(i, _):
        zbuf_v[pl.ds(i * 16, 16)] = jnp.zeros((16,), jnp.float32)
        return 0
    lax.fori_loop(0, ROWS_PER_TILE // 16, fill_z, 0)

    pltpu.sync_copy(zbuf_v, hist_sh.at[pl.ds(s * ROWS_PER_TILE, ROWS_PER_TILE)])
    plsc.subcore_barrier()

    @pl.when(w < ka)
    def _():
        pltpu.sync_copy(ei_hbm.at[1, pl.ds(base, na)], idx_v.at[pl.ds(0, na)])

    @pl.when(jnp.logical_and(w >= ka, w < NW - 1))
    def _():
        pltpu.sync_copy(ei_hbm.at[1, pl.ds(base, nb)], idx_v.at[pl.ds(0, nb)])

    @pl.when(w == NW - 1)
    def _():
        pltpu.sync_copy(ei_hbm.at[1, pl.ds(base, nb)], idx_v.at[pl.ds(0, nb)])
        for i in range(rem8):
            pltpu.sync_copy(ei_hbm.at[1, base + nb + i], idx_v.at[nb + i])

    def chunk_step(j, _):
        pltpu.sync_copy(ones_v, hist_sh.at[idx_v.at[j]], add=True)
        return 0
    lax.fori_loop(0, nchunks, chunk_step, 0)
    plsc.subcore_barrier()

    pltpu.sync_copy(hist_sh.at[pl.ds(s * ROWS_PER_TILE, ROWS_PER_TILE)],
                    out_hbm.at[c, pl.ds(s * ROWS_PER_TILE, ROWS_PER_TILE)])


def _make_hist(totc):
    na = 8 * (totc // (8 * NW)) + 8
    return functools.partial(
        pl.kernel,
        out_type=jax.ShapeDtypeStruct((2, N_PAD), jnp.float32),
        mesh=_mesh,
        scratch_types=[
            pltpu.VMEM((na, CHUNK), jnp.int32),
            pltpu.VMEM((CHUNK,), jnp.float32),
            pltpu.VMEM((ROWS_PER_TILE,), jnp.float32),
            pltpu.VMEM_SHARED((N_PAD,), jnp.float32),
        ],
    )(functools.partial(_hist_body, totc))


def _scatter_body(n0, n1, rem, ei_hbm, g_hbm, out_hbm,
                  sidx_v, didx_v, rows_v, acc_sh, gsem, isem, ssem):
    s = lax.axis_index("s")
    c = lax.axis_index("c")
    nchunks = jnp.where(c == 0, n0 + jnp.where(s < rem, 1, 0), n1)
    base = jnp.where(c == 0, s * n0 + jnp.minimum(s, rem),
                     NS * n0 + rem + s * n1)

    def fill_z(i, _):
        rows_v[0, i, :] = jnp.zeros((D,), jnp.float32)
        return 0
    lax.fori_loop(0, CHUNK, fill_z, 0)

    def zero_step(t, _):
        pltpu.sync_copy(rows_v.at[0],
                        acc_sh.at[pl.ds(s * ROWS_PER_TILE + t * CHUNK, CHUNK)])
        return 0
    lax.fori_loop(0, ROWS_PER_TILE // CHUNK, zero_step, 0)
    pltpu.sync_copy(rows_v.at[0, pl.ds(0, ROWS_PER_TILE % CHUNK)],
                    acc_sh.at[pl.ds(s * ROWS_PER_TILE
                                    + (ROWS_PER_TILE // CHUNK) * CHUNK,
                                    ROWS_PER_TILE % CHUNK)])
    plsc.subcore_barrier()

    pltpu.sync_copy(ei_hbm.at[0, base], sidx_v.at[0])
    pltpu.sync_copy(ei_hbm.at[1, base], didx_v.at[0])

    @pl.when(nchunks > 1)
    def _():
        pltpu.async_copy(ei_hbm.at[0, base + 1], sidx_v.at[1], isem)
        pltpu.async_copy(ei_hbm.at[1, base + 1], didx_v.at[1], isem)

    pltpu.async_copy(g_hbm.at[sidx_v.at[0]], rows_v.at[0], gsem)

    def chunk_step(j, _):
        cur = lax.rem(j, 2)
        nxt = lax.rem(j + 1, 2)
        dcur = lax.rem(j, 3)
        dnxt = lax.rem(j + 1, 3)

        @pl.when(j >= 1)
        def _():
            pltpu.make_async_copy(rows_v.at[nxt],
                                  acc_sh.at[didx_v.at[lax.rem(j + 2, 3)]],
                                  ssem).wait()

        @pl.when(j + 1 < nchunks)
        def _():
            pltpu.make_async_copy(ei_hbm.at[0, base + j + 1], sidx_v.at[nxt], isem).wait()
            pltpu.make_async_copy(ei_hbm.at[1, base + j + 1], didx_v.at[dnxt], isem).wait()
            pltpu.async_copy(g_hbm.at[sidx_v.at[nxt]], rows_v.at[nxt], gsem)

        pltpu.make_async_copy(g_hbm.at[sidx_v.at[cur]], rows_v.at[cur], gsem).wait()
        pltpu.async_copy(rows_v.at[cur], acc_sh.at[didx_v.at[dcur]], ssem, add=True)

        @pl.when(j + 2 < nchunks)
        def _():
            pltpu.async_copy(ei_hbm.at[0, base + j + 2], sidx_v.at[cur], isem)
            pltpu.async_copy(ei_hbm.at[1, base + j + 2], didx_v.at[lax.rem(j + 2, 3)], isem)
        return 0

    lax.fori_loop(0, nchunks, chunk_step, 0)
    pltpu.make_async_copy(rows_v.at[lax.rem(nchunks - 1, 2)],
                          acc_sh.at[didx_v.at[lax.rem(nchunks - 1, 3)]], ssem).wait()
    plsc.subcore_barrier()

    def dump_step(t, _):
        o = s * ROWS_PER_TILE + t * CHUNK
        pltpu.sync_copy(acc_sh.at[pl.ds(o, CHUNK)], out_hbm.at[c, pl.ds(o, CHUNK)])
        return 0
    lax.fori_loop(0, ROWS_PER_TILE // CHUNK, dump_step, 0)
    o = s * ROWS_PER_TILE + (ROWS_PER_TILE // CHUNK) * CHUNK
    r = ROWS_PER_TILE % CHUNK
    pltpu.sync_copy(acc_sh.at[pl.ds(o, r)], out_hbm.at[c, pl.ds(o, r)])


def _make_scatter(n0, n1, rem):
    return functools.partial(
        pl.kernel,
        out_type=jax.ShapeDtypeStruct((2, N_PAD, D), jnp.float32),
        mesh=_mesh,
        scratch_types=[
            pltpu.VMEM((2, CHUNK), jnp.int32),
            pltpu.VMEM((3, CHUNK), jnp.int32),
            pltpu.VMEM((2, CHUNK, D), jnp.float32),
            pltpu.VMEM_SHARED((N_PAD, D), jnp.float32),
            pltpu.SemaphoreType.DMA,
            pltpu.SemaphoreType.DMA,
            pltpu.SemaphoreType.DMA,
        ],
    )(functools.partial(_scatter_body, n0, n1, rem))


def _pre_body(x_ref, w_ref, histt_ref, g_ref):
    h = lax.dot_general(x_ref[...], w_ref[...],
                        (((1,), (1,)), ((), ())),
                        preferred_element_type=jnp.float32)
    deg = histt_ref[:, 0:1] + histt_ref[:, 1:2] + 1.0
    g_ref[...] = h * lax.rsqrt(deg)


_BLK = 1000
_GRID = N_NODES // _BLK


def _tc_pre(x, W, histt):
    return pl.pallas_call(
        _pre_body,
        grid=(_GRID,),
        in_specs=[
            pl.BlockSpec((_BLK, D), lambda i: (i, 0)),
            pl.BlockSpec((D, D), lambda i: (0, 0)),
            pl.BlockSpec((_BLK, 2), lambda i: (i, 0)),
        ],
        out_specs=pl.BlockSpec((_BLK, D), lambda i: (i, 0)),
        out_shape=jax.ShapeDtypeStruct((N_PAD, D), jnp.float32),
    )(x, W, histt)


def _post_body(parts_ref, g_ref, histt_ref, b_ref, out_ref):
    acc = parts_ref[0] + parts_ref[1] + g_ref[...]
    deg = histt_ref[:, 0:1] + histt_ref[:, 1:2] + 1.0
    out = acc * lax.rsqrt(deg) + b_ref[...]
    out_ref[...] = jnp.maximum(out, 0.0)


def _tc_post(parts, g, histt, b2d):
    return pl.pallas_call(
        _post_body,
        grid=(_GRID,),
        in_specs=[
            pl.BlockSpec((2, _BLK, D), lambda i: (0, i, 0)),
            pl.BlockSpec((_BLK, D), lambda i: (i, 0)),
            pl.BlockSpec((_BLK, 2), lambda i: (i, 0)),
            pl.BlockSpec((1, D), lambda i: (0, 0)),
        ],
        out_specs=pl.BlockSpec((_BLK, D), lambda i: (i, 0)),
        out_shape=jax.ShapeDtypeStruct((N_NODES, D), jnp.float32),
    )(parts, g, histt, b2d)


_SLOW_SHARE = 78 / 157


def kernel(x, edge_index, W, b):
    ei = edge_index.astype(jnp.int32)
    E = ei.shape[1]

    if E % CHUNK:
        pad_n = CHUNK - E % CHUNK
        pad_dst = N_NODES + jnp.arange(pad_n, dtype=jnp.int32) % (N_PAD - N_NODES)
        ei = jnp.concatenate(
            [ei, jnp.stack([jnp.zeros((pad_n,), jnp.int32), pad_dst])], axis=1)

    totc = ei.shape[1] // CHUNK
    ei3 = ei.reshape(2, totc, CHUNK)
    per_tile = totc // NS
    rem = totc - NS * per_tile
    n0 = max(1, round(per_tile * _SLOW_SHARE))
    n1 = per_tile - n0

    hist = _make_hist(totc)(ei3)
    histt = hist.T
    g = _tc_pre(x, W, histt)
    parts = _make_scatter(n0, n1, rem)(ei3, g)
    return _tc_post(parts, g, histt, b.reshape(1, D))

# --- scband reference (transcript-rebuilt; emitter-appended) ---
"""Pipeline reference for scband-graph-convolution-torch-12635793785115 (READ-ONLY COPY).

The authoritative reference and input builder live on the scoring server;
editing this copy changes nothing except your own understanding.
"""

import jax, jax.numpy as jnp
import numpy as np

N_NODES = 10000
N_EDGES = 320000
D_IN = 128
D_OUT = 128


def setup_inputs(seed: int = 0) -> dict:
    key = jax.random.key(seed)
    k1, k2, k3 = jax.random.split(key, 3)
    x = jax.random.normal(k1, (N_NODES, D_IN), dtype=jnp.float32)
    edge_index = jax.random.randint(k2, (2, N_EDGES), 0, N_NODES, dtype=jnp.int64)
    # GCNConv linear weight (out_features, in_features), glorot init
    limit = float(np.sqrt(6.0 / (D_IN + D_OUT)))
    W = jax.random.uniform(k3, (D_OUT, D_IN), dtype=jnp.float32, minval=-limit, maxval=limit)
    b = jnp.zeros((D_OUT,), dtype=jnp.float32)
    return {"x": x, "edge_index": edge_index, "W": W, "b": b}


def reference(x, edge_index, W, b):
    # GraphConvolutionTorch.forward with adj given as edge_index (coalesced COO indices)
    N = x.shape[0]
    # GCNConv: linear transform first
    h = x @ W.T
    # add self-loops (PyG default add_self_loops=True)
    loop = jnp.arange(N, dtype=edge_index.dtype)
    src = jnp.concatenate([edge_index[0], loop])
    dst = jnp.concatenate([edge_index[1], loop])
    # symmetric normalization: deg computed over dst with unit edge weights
    deg = jnp.zeros((N,), dtype=h.dtype).at[dst].add(1.0)
    deg_inv_sqrt = jnp.where(deg > 0, deg ** -0.5, 0.0)
    norm = deg_inv_sqrt[src] * deg_inv_sqrt[dst]
    # gather messages from src, scale, scatter-add to dst
    msg = h[src] * norm[:, None]
    out = jnp.zeros((N, h.shape[1]), dtype=h.dtype).at[dst].add(msg)
    out = out + b
    # dropout p=0.0 -> identity; act = relu
    out = jax.nn.relu(out)
    return out

if __name__ == "__main__":
    import jax
    _d = setup_inputs()
    print(jax.jit(kernel)(*tuple(_d.values())))

</pallas_src>

<mosaic_0001>
#map = affine_map<(d0, d1) -> (0, 0, 0)>
#map1 = affine_map<(d0, d1) -> (0, 0)>
module attributes {stable_mosaic.version = 14 : i64} {
  func.func @_hist_body(%arg0: i32, %arg1: i32, %arg2: memref<2x2500x128xi32, #tpu.memory_space<hbm>>, %arg3: memref<2x10240xf32, #tpu.memory_space<hbm>>, %arg4: memref<80x128xi32, #tpu.memory_space<vmem>>, %arg5: memref<128xf32, #tpu.memory_space<vmem>>, %arg6: memref<640xf32, #tpu.memory_space<vmem>>, %arg7: memref<10240xf32, #tpu.memory_space<vmem_shared>>) attributes {dimension_semantics = [#tpu.dimension_semantics<core_parallel>, #tpu.dimension_semantics<subcore_parallel>], iteration_bounds = array<i64: 2, 16>, scalar_prefetch = 0 : i64, scratch_operands = 4 : i64, tpu.core_type = #tpu.core_type<sc_vector_subcore>, window_params = [{transform_indices = #map}, {transform_indices = #map1}]} {
    %mul3A = arith.constant 16 : i32
    %mul3A_0 = arith.muli %arg0, %mul3A : i32
    %add3A = arith.addi %mul3A_0, %arg1 : i32
    %lt3A = arith.constant 24 : i32
    %lt3A_1 = arith.cmpi slt, %add3A, %lt3A : i32
    %jit3A = arith.constant 8 : i32
    %jit3A_2 = arith.constant 0 : i32
    %select_n3A = arith.select %lt3A_1, %jit3A, %jit3A_2 : i32
    %add3A_3 = arith.constant 72 : i32
    %add3A_4 = arith.addi %add3A_3, %select_n3A : i32
    %eq3A = arith.constant 31 : i32
    %eq3A_5 = arith.cmpi eq, %add3A, %eq3A : i32
    %jit3A_6 = arith.constant 4 : i32
    %jit3A_7 = arith.constant 0 : i32
    %select_n3A_8 = arith.select %eq3A_5, %jit3A_6, %jit3A_7 : i32
    %add3A_9 = arith.addi %add3A_4, %select_n3A_8 : i32
    %mul3A_10 = arith.constant 72 : i32
    %mul3A_11 = arith.muli %mul3A_10, %add3A : i32
    %min3A = arith.constant 24 : i32
    %min3A_12 = arith.minsi %add3A, %min3A : i32
    %mul3A_13 = arith.constant 8 : i32
    %mul3A_14 = arith.muli %mul3A_13, %min3A_12 : i32
    %add3A_15 = arith.addi %mul3A_11, %mul3A_14 : i32
    %scan3A = arith.constant 0 : i32
    %scan3A_16 = arith.constant 0 : i32
    %scan3A_17 = arith.constant 8 : i32
    %scan3A_18 = arith.addi %scan3A_16, %scan3A_17 : i32
    %scan3A_19 = arith.constant 1 : i32
    %scan3A_20 = scf.for %scan3A_61 = %scan3A_16 to %scan3A_18 step %scan3A_19 iter_args(%scan3A_62 = %scan3A) -> (i32)  : i32 {
      %broadcast_in_dim3A = arith.constant 1.000000e+00 : f32
      %broadcast_in_dim3A_63 = vector.broadcast %broadcast_in_dim3A : f32 to vector<16xf32>
      %mul3A_64 = arith.constant 16 : i32
      %mul3A_65 = arith.muli %scan3A_61, %mul3A_64 : i32
      %swap3A = arith.index_cast %mul3A_65 : i32 to index
      %swap3A_66 = tpu.vector_load %arg5[%swap3A] {strides = array<i32>} : memref<128xf32, #tpu.memory_space<vmem>>, vector<16xf32>,
      %swap3A_67 = vector.shape_cast %swap3A_66 : vector<16xf32> to vector<16xf32>
      %swap3A_68 = vector.shape_cast %broadcast_in_dim3A_63 : vector<16xf32> to vector<16xf32>
      tpu.vector_store %arg5[%swap3A], %swap3A_68 {strides = array<i32>} : memref<128xf32, #tpu.memory_space<vmem>>, vector<16xf32>,
      %scan3A_69 = arith.constant 0 : i32
      scf.yield %scan3A_69 : i32
    }
    %scan3A_21 = arith.constant 8 : i32
    %scan3A_22 = arith.constant 0 : i32
    %scan3A_23 = arith.constant 0 : i32
    %scan3A_24 = arith.constant 40 : i32
    %scan3A_25 = arith.addi %scan3A_23, %scan3A_24 : i32
    %scan3A_26 = arith.constant 1 : i32
    %scan3A_27 = scf.for %scan3A_61 = %scan3A_23 to %scan3A_25 step %scan3A_26 iter_args(%scan3A_62 = %scan3A_22) -> (i32)  : i32 {
      %broadcast_in_dim3A = arith.constant 0.000000e+00 : f32
      %broadcast_in_dim3A_63 = vector.broadcast %broadcast_in_dim3A : f32 to vector<16xf32>
      %mul3A_64 = arith.constant 16 : i32
      %mul3A_65 = arith.muli %scan3A_61, %mul3A_64 : i32
      %swap3A = arith.index_cast %mul3A_65 : i32 to index
      %swap3A_66 = tpu.vector_load %arg6[%swap3A] {strides = array<i32>} : memref<640xf32, #tpu.memory_space<vmem>>, vector<16xf32>,
      %swap3A_67 = vector.shape_cast %swap3A_66 : vector<16xf32> to vector<16xf32>
      %swap3A_68 = vector.shape_cast %broadcast_in_dim3A_63 : vector<16xf32> to vector<16xf32>
      tpu.vector_store %arg6[%swap3A], %swap3A_68 {strides = array<i32>} : memref<640xf32, #tpu.memory_space<vmem>>, vector<16xf32>,
      %scan3A_69 = arith.constant 0 : i32
      scf.yield %scan3A_69 : i32
    }
    %scan3A_28 = arith.constant 40 : i32
    %mul3A_29 = arith.constant 640 : i32
    %mul3A_30 = arith.muli %arg1, %mul3A_29 : i32
    "tpu.region"() ({
      %run_scoped3A = tpu.sem_alloc : memref<!tpu.dma_semaphore, #tpu.memory_space<semaphore_mem>>
      %dma_start3A = tpu.memref_slice %arg7[%mul3A_30] : memref<10240xf32, #tpu.memory_space<vmem_shared>> -> memref<640xf32, #tpu.memory_space<vmem_shared>>
      %dma_start3A_61 = tpu.memref_slice %arg7[%mul3A_30] : memref<10240xf32, #tpu.memory_space<vmem_shared>> -> memref<640xf32, #tpu.memory_space<vmem_shared>>
      tpu.enqueue_dma source(%arg6 : memref<640xf32, #tpu.memory_space<vmem>>) target(%dma_start3A_61 : memref<640xf32, #tpu.memory_space<vmem_shared>>) target_semaphore(%run_scoped3A : memref<!tpu.dma_semaphore, #tpu.memory_space<semaphore_mem>>)
      %dma_wait3A = tpu.memref_slice %arg7[%mul3A_30] : memref<10240xf32, #tpu.memory_space<vmem_shared>> -> memref<640xf32, #tpu.memory_space<vmem_shared>>
      %dma_wait3A_62 = tpu.memref_slice %arg7[%mul3A_30] : memref<10240xf32, #tpu.memory_space<vmem_shared>> -> memref<640xf32, #tpu.memory_space<vmem_shared>>
      tpu.wait_dma2 semaphore(%run_scoped3A : memref<!tpu.dma_semaphore, #tpu.memory_space<semaphore_mem>>) src(%arg6 : memref<640xf32, #tpu.memory_space<vmem>>) dst(%dma_wait3A_62 : memref<640xf32, #tpu.memory_space<vmem_shared>>)
      tpu.yield
    }) : () -> ()
    %barrier3A = arith.constant 0 : index
    tpu.barrier barrier_id(%barrier3A)
    %lt3A_31 = arith.constant 24 : i32
    %lt3A_32 = arith.cmpi slt, %add3A, %lt3A_31 : i32
    %convert_element_type3A = arith.extui %lt3A_32 : i1 to i32
    %cond3A = arith.constant 0 : i32
    %cond3A_33 = arith.cmpi ne, %convert_element_type3A, %cond3A : i32
    scf.if %cond3A_33 {
      %run_scoped3A = arith.constant 1 : i32
      "tpu.region"() ({
        %run_scoped3A_61 = tpu.sem_alloc : memref<!tpu.dma_semaphore, #tpu.memory_space<semaphore_mem>>
        %dma_start3A = arith.constant 0 : i32
        %dma_start3A_62 = arith.constant 0 : i32
        %dma_start3A_63 = tpu.memref_slice %arg4[%dma_start3A, %dma_start3A_62] : memref<80x128xi32, #tpu.memory_space<vmem>> -> memref<80x128xi32, #tpu.memory_space<vmem>>
        %dma_start3A_64 = arith.constant 0 : i32
        %dma_start3A_65 = tpu.memref_slice %arg2[%run_scoped3A, %add3A_15, %dma_start3A_64] : memref<2x2500x128xi32, #tpu.memory_space<hbm>> -> memref<1x80x128xi32, #tpu.memory_space<hbm>>
        %dma_start3A_66 = tpu.memref_squeeze %dma_start3A_65 : memref<1x80x128xi32, #tpu.memory_space<hbm>> -> memref<80x128xi32, #tpu.memory_space<hbm>>
        %dma_start3A_67 = arith.constant 0 : i32
        %dma_start3A_68 = arith.constant 0 : i32
        %dma_start3A_69 = tpu.memref_slice %arg4[%dma_start3A_67, %dma_start3A_68] : memref<80x128xi32, #tpu.memory_space<vmem>> -> memref<80x128xi32, #tpu.memory_space<vmem>>
        %dma_start3A_70 = arith.constant 0 : i32
        %dma_start3A_71 = tpu.memref_slice %arg2[%run_scoped3A, %add3A_15, %dma_start3A_70] : memref<2x2500x128xi32, #tpu.memory_space<hbm>> -> memref<1x80x128xi32, #tpu.memory_space<hbm>>
        %dma_start3A_72 = tpu.memref_squeeze %dma_start3A_71 : memref<1x80x128xi32, #tpu.memory_space<hbm>> -> memref<80x128xi32, #tpu.memory_space<hbm>>
        tpu.enqueue_dma source(%dma_start3A_72 : memref<80x128xi32, #tpu.memory_space<hbm>>) target(%dma_start3A_69 : memref<80x128xi32, #tpu.memory_space<vmem>>) target_semaphore(%run_scoped3A_61 : memref<!tpu.dma_semaphore, #tpu.memory_space<semaphore_mem>>)
        %dma_wait3A = arith.constant 0 : i32
        %dma_wait3A_73 = arith.constant 0 : i32
        %dma_wait3A_74 = tpu.memref_slice %arg4[%dma_wait3A, %dma_wait3A_73] : memref<80x128xi32, #tpu.memory_space<vmem>> -> memref<80x128xi32, #tpu.memory_space<vmem>>
        %dma_wait3A_75 = arith.constant 0 : i32
        %dma_wait3A_76 = tpu.memref_slice %arg2[%run_scoped3A, %add3A_15, %dma_wait3A_75] : memref<2x2500x128xi32, #tpu.memory_space<hbm>> -> memref<1x80x128xi32, #tpu.memory_space<hbm>>
        %dma_wait3A_77 = tpu.memref_squeeze %dma_wait3A_76 : memref<1x80x128xi32, #tpu.memory_space<hbm>> -> memref<80x128xi32, #tpu.memory_space<hbm>>
        %dma_wait3A_78 = arith.constant 0 : i32
        %dma_wait3A_79 = arith.constant 0 : i32
        %dma_wait3A_80 = tpu.memref_slice %arg4[%dma_wait3A_78, %dma_wait3A_79] : memref<80x128xi32, #tpu.memory_space<vmem>> -> memref<80x128xi32, #tpu.memory_space<vmem>>
        %dma_wait3A_81 = arith.constant 0 : i32
        %dma_wait3A_82 = tpu.memref_slice %arg2[%run_scoped3A, %add3A_15, %dma_wait3A_81] : memref<2x2500x128xi32, #tpu.memory_space<hbm>> -> memref<1x80x128xi32, #tpu.memory_space<hbm>>
        %dma_wait3A_83 = tpu.memref_squeeze %dma_wait3A_82 : memref<1x80x128xi32, #tpu.memory_space<hbm>> -> memref<80x128xi32, #tpu.memory_space<hbm>>
        tpu.wait_dma2 semaphore(%run_scoped3A_61 : memref<!tpu.dma_semaphore, #tpu.memory_space<semaphore_mem>>) src(%dma_wait3A_83 : memref<80x128xi32, #tpu.memory_space<hbm>>) dst(%dma_wait3A_80 : memref<80x128xi32, #tpu.memory_space<vmem>>)
        tpu.yield
      }) : () -> ()
    } else {
    }
    %ge3A = arith.constant 24 : i32
    %ge3A_34 = arith.cmpi sge, %add3A, %ge3A : i32
    %lt3A_35 = arith.constant 31 : i32
    %lt3A_36 = arith.cmpi slt, %add3A, %lt3A_35 : i32
    %and3A = arith.andi %ge3A_34, %lt3A_36 : i1
    %convert_element_type3A_37 = arith.extui %and3A : i1 to i32
    %cond3A_38 = arith.constant 0 : i32
    %cond3A_39 = arith.cmpi ne, %convert_element_type3A_37, %cond3A_38 : i32
    scf.if %cond3A_39 {
      %run_scoped3A = arith.constant 1 : i32
      "tpu.region"() ({
        %run_scoped3A_61 = tpu.sem_alloc : memref<!tpu.dma_semaphore, #tpu.memory_space<semaphore_mem>>
        %dma_start3A = arith.constant 0 : i32
        %dma_start3A_62 = arith.constant 0 : i32
        %dma_start3A_63 = tpu.memref_slice %arg4[%dma_start3A, %dma_start3A_62] : memref<80x128xi32, #tpu.memory_space<vmem>> -> memref<72x128xi32, #tpu.memory_space<vmem>>
        %dma_start3A_64 = arith.constant 0 : i32
        %dma_start3A_65 = tpu.memref_slice %arg2[%run_scoped3A, %add3A_15, %dma_start3A_64] : memref<2x2500x128xi32, #tpu.memory_space<hbm>> -> memref<1x72x128xi32, #tpu.memory_space<hbm>>
        %dma_start3A_66 = tpu.memref_squeeze %dma_start3A_65 : memref<1x72x128xi32, #tpu.memory_space<hbm>> -> memref<72x128xi32, #tpu.memory_space<hbm>>
        %dma_start3A_67 = arith.constant 0 : i32
        %dma_start3A_68 = arith.constant 0 : i32
        %dma_start3A_69 = tpu.memref_slice %arg4[%dma_start3A_67, %dma_start3A_68] : memref<80x128xi32, #tpu.memory_space<vmem>> -> memref<72x128xi32, #tpu.memory_space<vmem>>
        %dma_start3A_70 = arith.constant 0 : i32
        %dma_start3A_71 = tpu.memref_slice %arg2[%run_scoped3A, %add3A_15, %dma_start3A_70] : memref<2x2500x128xi32, #tpu.memory_space<hbm>> -> memref<1x72x128xi32, #tpu.memory_space<hbm>>
        %dma_start3A_72 = tpu.memref_squeeze %dma_start3A_71 : memref<1x72x128xi32, #tpu.memory_space<hbm>> -> memref<72x128xi32, #tpu.memory_space<hbm>>
        tpu.enqueue_dma source(%dma_start3A_72 : memref<72x128xi32, #tpu.memory_space<hbm>>) target(%dma_start3A_69 : memref<72x128xi32, #tpu.memory_space<vmem>>) target_semaphore(%run_scoped3A_61 : memref<!tpu.dma_semaphore, #tpu.memory_space<semaphore_mem>>)
        %dma_wait3A = arith.constant 0 : i32
        %dma_wait3A_73 = arith.constant 0 : i32
        %dma_wait3A_74 = tpu.memref_slice %arg4[%dma_wait3A, %dma_wait3A_73] : memref<80x128xi32, #tpu.memory_space<vmem>> -> memref<72x128xi32, #tpu.memory_space<vmem>>
        %dma_wait3A_75 = arith.constant 0 : i32
        %dma_wait3A_76 = tpu.memref_slice %arg2[%run_scoped3A, %add3A_15, %dma_wait3A_75] : memref<2x2500x128xi32, #tpu.memory_space<hbm>> -> memref<1x72x128xi32, #tpu.memory_space<hbm>>
        %dma_wait3A_77 = tpu.memref_squeeze %dma_wait3A_76 : memref<1x72x128xi32, #tpu.memory_space<hbm>> -> memref<72x128xi32, #tpu.memory_space<hbm>>
        %dma_wait3A_78 = arith.constant 0 : i32
        %dma_wait3A_79 = arith.constant 0 : i32
        %dma_wait3A_80 = tpu.memref_slice %arg4[%dma_wait3A_78, %dma_wait3A_79] : memref<80x128xi32, #tpu.memory_space<vmem>> -> memref<72x128xi32, #tpu.memory_space<vmem>>
        %dma_wait3A_81 = arith.constant 0 : i32
        %dma_wait3A_82 = tpu.memref_slice %arg2[%run_scoped3A, %add3A_15, %dma_wait3A_81] : memref<2x2500x128xi32, #tpu.memory_space<hbm>> -> memref<1x72x128xi32, #tpu.memory_space<hbm>>
        %dma_wait3A_83 = tpu.memref_squeeze %dma_wait3A_82 : memref<1x72x128xi32, #tpu.memory_space<hbm>> -> memref<72x128xi32, #tpu.memory_space<hbm>>
        tpu.wait_dma2 semaphore(%run_scoped3A_61 : memref<!tpu.dma_semaphore, #tpu.memory_space<semaphore_mem>>) src(%dma_wait3A_83 : memref<72x128xi32, #tpu.memory_space<hbm>>) dst(%dma_wait3A_80 : memref<72x128xi32, #tpu.memory_space<vmem>>)
        tpu.yield
      }) : () -> ()
    } else {
    }
    %eq3A_40 = arith.constant 31 : i32
    %eq3A_41 = arith.cmpi eq, %add3A, %eq3A_40 : i32
    %convert_element_type3A_42 = arith.extui %eq3A_41 : i1 to i32
    %cond3A_43 = arith.constant 0 : i32
    %cond3A_44 = arith.cmpi ne, %convert_element_type3A_42, %cond3A_43 : i32
    scf.if %cond3A_44 {
      %run_scoped3A = arith.constant 1 : i32
      "tpu.region"() ({
        %run_scoped3A_85 = tpu.sem_alloc : memref<!tpu.dma_semaphore, #tpu.memory_space<semaphore_mem>>
        %dma_start3A = arith.constant 0 : i32
        %dma_start3A_86 = arith.constant 0 : i32
        %dma_start3A_87 = tpu.memref_slice %arg4[%dma_start3A, %dma_start3A_86] : memref<80x128xi32, #tpu.memory_space<vmem>> -> memref<72x128xi32, #tpu.memory_space<vmem>>
        %dma_start3A_88 = arith.constant 0 : i32
        %dma_start3A_89 = tpu.memref_slice %arg2[%run_scoped3A, %add3A_15, %dma_start3A_88] : memref<2x2500x128xi32, #tpu.memory_space<hbm>> -> memref<1x72x128xi32, #tpu.memory_space<hbm>>
        %dma_start3A_90 = tpu.memref_squeeze %dma_start3A_89 : memref<1x72x128xi32, #tpu.memory_space<hbm>> -> memref<72x128xi32, #tpu.memory_space<hbm>>
        %dma_start3A_91 = arith.constant 0 : i32
        %dma_start3A_92 = arith.constant 0 : i32
        %dma_start3A_93 = tpu.memref_slice %arg4[%dma_start3A_91, %dma_start3A_92] : memref<80x128xi32, #tpu.memory_space<vmem>> -> memref<72x128xi32, #tpu.memory_space<vmem>>
        %dma_start3A_94 = arith.constant 0 : i32
        %dma_start3A_95 = tpu.memref_slice %arg2[%run_scoped3A, %add3A_15, %dma_start3A_94] : memref<2x2500x128xi32, #tpu.memory_space<hbm>> -> memref<1x72x128xi32, #tpu.memory_space<hbm>>
        %dma_start3A_96 = tpu.memref_squeeze %dma_start3A_95 : memref<1x72x128xi32, #tpu.memory_space<hbm>> -> memref<72x128xi32, #tpu.memory_space<hbm>>
        tpu.enqueue_dma source(%dma_start3A_96 : memref<72x128xi32, #tpu.memory_space<hbm>>) target(%dma_start3A_93 : memref<72x128xi32, #tpu.memory_space<vmem>>) target_semaphore(%run_scoped3A_85 : memref<!tpu.dma_semaphore, #tpu.memory_space<semaphore_mem>>)
        %dma_wait3A = arith.constant 0 : i32
        %dma_wait3A_97 = arith.constant 0 : i32
        %dma_wait3A_98 = tpu.memref_slice %arg4[%dma_wait3A, %dma_wait3A_97] : memref<80x128xi32, #tpu.memory_space<vmem>> -> memref<72x128xi32, #tpu.memory_space<vmem>>
        %dma_wait3A_99 = arith.constant 0 : i32
        %dma_wait3A_100 = tpu.memref_slice %arg2[%run_scoped3A, %add3A_15, %dma_wait3A_99] : memref<2x2500x128xi32, #tpu.memory_space<hbm>> -> memref<1x72x128xi32, #tpu.memory_space<hbm>>
        %dma_wait3A_101 = tpu.memref_squeeze %dma_wait3A_100 : memref<1x72x128xi32, #tpu.memory_space<hbm>> -> memref<72x128xi32, #tpu.memory_space<hbm>>
        %dma_wait3A_102 = arith.constant 0 : i32
        %dma_wait3A_103 = arith.constant 0 : i32
        %dma_wait3A_104 = tpu.memref_slice %arg4[%dma_wait3A_102, %dma_wait3A_103] : memref<80x128xi32, #tpu.memory_space<vmem>> -> memref<72x128xi32, #tpu.memory_space<vmem>>
        %dma_wait3A_105 = arith.constant 0 : i32
        %dma_wait3A_106 = tpu.memref_slice %arg2[%run_scoped3A, %add3A_15, %dma_wait3A_105] : memref<2x2500x128xi32, #tpu.memory_space<hbm>> -> memref<1x72x128xi32, #tpu.memory_space<hbm>>
        %dma_wait3A_107 = tpu.memref_squeeze %dma_wait3A_106 : memref<1x72x128xi32, #tpu.memory_space<hbm>> -> memref<72x128xi32, #tpu.memory_space<hbm>>
        tpu.wait_dma2 semaphore(%run_scoped3A_85 : memref<!tpu.dma_semaphore, #tpu.memory_space<semaphore_mem>>) src(%dma_wait3A_107 : memref<72x128xi32, #tpu.memory_space<hbm>>) dst(%dma_wait3A_104 : memref<72x128xi32, #tpu.memory_space<vmem>>)
        tpu.yield
      }) : () -> ()
      %add3A_61 = arith.constant 72 : i32
      %add3A_62 = arith.addi %add3A_15, %add3A_61 : i32
      %add3A_63 = arith.constant 0 : i32
      %add3A_64 = arith.addi %add3A_62, %add3A_63 : i32
      %run_scoped3A_65 = arith.constant 1 : i32
      %run_scoped3A_66 = arith.constant 72 : i32
      "tpu.region"() ({
        %run_scoped3A_85 = tpu.sem_alloc : memref<!tpu.dma_semaphore, #tpu.memory_space<semaphore_mem>>
        %dma_start3A = arith.constant 0 : i32
        %dma_start3A_86 = tpu.memref_slice %arg4[%run_scoped3A_66, %dma_start3A] : memref<80x128xi32, #tpu.memory_space<vmem>> -> memref<1x128xi32, #tpu.memory_space<vmem>>
        %dma_start3A_87 = tpu.memref_squeeze %dma_start3A_86 : memref<1x128xi32, #tpu.memory_space<vmem>> -> memref<128xi32, #tpu.memory_space<vmem>>
        %dma_start3A_88 = arith.constant 0 : i32
        %dma_start3A_89 = tpu.memref_slice %arg2[%run_scoped3A_65, %add3A_64, %dma_start3A_88] : memref<2x2500x128xi32, #tpu.memory_space<hbm>> -> memref<1x1x128xi32, #tpu.memory_space<hbm>>
        %dma_start3A_90 = tpu.memref_squeeze %dma_start3A_89 : memref<1x1x128xi32, #tpu.memory_space<hbm>> -> memref<128xi32, #tpu.memory_space<hbm>>
        %dma_start3A_91 = arith.constant 0 : i32
        %dma_start3A_92 = tpu.memref_slice %arg4[%run_scoped3A_66, %dma_start3A_91] : memref<80x128xi32, #tpu.memory_space<vmem>> -> memref<1x128xi32, #tpu.memory_space<vmem>>
        %dma_start3A_93 = tpu.memref_squeeze %dma_start3A_92 : memref<1x128xi32, #tpu.memory_space<vmem>> -> memref<128xi32, #tpu.memory_space<vmem>>
        %dma_start3A_94 = arith.constant 0 : i32
        %dma_start3A_95 = tpu.memref_slice %arg2[%run_scoped3A_65, %add3A_64, %dma_start3A_94] : memref<2x2500x128xi32, #tpu.memory_space<hbm>> -> memref<1x1x128xi32, #tpu.memory_space<hbm>>
        %dma_start3A_96 = tpu.memref_squeeze %dma_start3A_95 : memref<1x1x128xi32, #tpu.memory_space<hbm>> -> memref<128xi32, #tpu.memory_space<hbm>>
        tpu.enqueue_dma source(%dma_start3A_96 : memref<128xi32, #tpu.memory_space<hbm>>) target(%dma_start3A_93 : memref<128xi32, #tpu.memory_space<vmem>>) target_semaphore(%run_scoped3A_85 : memref<!tpu.dma_semaphore, #tpu.memory_space<semaphore_mem>>)
        %dma_wait3A = arith.constant 0 : i32
        %dma_wait3A_97 = tpu.memref_slice %arg4[%run_scoped3A_66, %dma_wait3A] : memref<80x128xi32, #tpu.memory_space<vmem>> -> memref<1x128xi32, #tpu.memory_space<vmem>>
        %dma_wait3A_98 = tpu.memref_squeeze %dma_wait3A_97 : memref<1x128xi32, #tpu.memory_space<vmem>> -> memref<128xi32, #tpu.memory_space<vmem>>
        %dma_wait3A_99 = arith.constant 0 : i32
        %dma_wait3A_100 = tpu.memref_slice %arg2[%run_scoped3A_65, %add3A_64, %dma_wait3A_99] : memref<2x2500x128xi32, #tpu.memory_space<hbm>> -> memref<1x1x128xi32, #tpu.memory_space<hbm>>
        %dma_wait3A_101 = tpu.memref_squeeze %dma_wait3A_100 : memref<1x1x128xi32, #tpu.memory_space<hbm>> -> memref<128xi32, #tpu.memory_space<hbm>>
        %dma_wait3A_102 = arith.constant 0 : i32
        %dma_wait3A_103 = tpu.memref_slice %arg4[%run_scoped3A_66, %dma_wait3A_102] : memref<80x128xi32, #tpu.memory_space<vmem>> -> memref<1x128xi32, #tpu.memory_space<vmem>>
        %dma_wait3A_104 = tpu.memref_squeeze %dma_wait3A_103 : memref<1x128xi32, #tpu.memory_space<vmem>> -> memref<128xi32, #tpu.memory_space<vmem>>
        %dma_wait3A_105 = arith.constant 0 : i32
        %dma_wait3A_106 = tpu.memref_slice %arg2[%run_scoped3A_65, %add3A_64, %dma_wait3A_105] : memref<2x2500x128xi32, #tpu.memory_space<hbm>> -> memref<1x1x128xi32, #tpu.memory_space<hbm>>
        %dma_wait3A_107 = tpu.memref_squeeze %dma_wait3A_106 : memref<1x1x128xi32, #tpu.memory_space<hbm>> -> memref<128xi32, #tpu.memory_space<hbm>>
        tpu.wait_dma2 semaphore(%run_scoped3A_85 : memref<!tpu.dma_semaphore, #tpu.memory_space<semaphore_mem>>) src(%dma_wait3A_107 : memref<128xi32, #tpu.memory_space<hbm>>) dst(%dma_wait3A_104 : memref<128xi32, #tpu.memory_space<vmem>>)
        tpu.yield
      }) : () -> ()
      %add3A_67 = arith.constant 72 : i32
      %add3A_68 = arith.addi %add3A_15, %add3A_67 : i32
      %add3A_69 = arith.constant 1 : i32
      %add3A_70 = arith.addi %add3A_68, %add3A_69 : i32
      %run_scoped3A_71 = arith.constant 1 : i32
      %run_scoped3A_72 = arith.constant 73 : i32
      "tpu.region"() ({
        %run_scoped3A_85 = tpu.sem_alloc : memref<!tpu.dma_semaphore, #tpu.memory_space<semaphore_mem>>
        %dma_start3A = arith.constant 0 : i32
        %dma_start3A_86 = tpu.memref_slice %arg4[%run_scoped3A_72, %dma_start3A] : memref<80x128xi32, #tpu.memory_space<vmem>> -> memref<1x128xi32, #tpu.memory_space<vmem>>
        %dma_start3A_87 = tpu.memref_squeeze %dma_start3A_86 : memref<1x128xi32, #tpu.memory_space<vmem>> -> memref<128xi32, #tpu.memory_space<vmem>>
        %dma_start3A_88 = arith.constant 0 : i32
        %dma_start3A_89 = tpu.memref_slice %arg2[%run_scoped3A_71, %add3A_70, %dma_start3A_88] : memref<2x2500x128xi32, #tpu.memory_space<hbm>> -> memref<1x1x128xi32, #tpu.memory_space<hbm>>
        %dma_start3A_90 = tpu.memref_squeeze %dma_start3A_89 : memref<1x1x128xi32, #tpu.memory_space<hbm>> -> memref<128xi32, #tpu.memory_space<hbm>>
        %dma_start3A_91 = arith.constant 0 : i32
        %dma_start3A_92 = tpu.memref_slice %arg4[%run_scoped3A_72, %dma_start3A_91] : memref<80x128xi32, #tpu.memory_space<vmem>> -> memref<1x128xi32, #tpu.memory_space<vmem>>
        %dma_start3A_93 = tpu.memref_squeeze %dma_start3A_92 : memref<1x128xi32, #tpu.memory_space<vmem>> -> memref<128xi32, #tpu.memory_space<vmem>>
        %dma_start3A_94 = arith.constant 0 : i32
        %dma_start3A_95 = tpu.memref_slice %arg2[%run_scoped3A_71, %add3A_70, %dma_start3A_94] : memref<2x2500x128xi32, #tpu.memory_space<hbm>> -> memref<1x1x128xi32, #tpu.memory_space<hbm>>
        %dma_start3A_96 = tpu.memref_squeeze %dma_start3A_95 : memref<1x1x128xi32, #tpu.memory_space<hbm>> -> memref<128xi32, #tpu.memory_space<hbm>>
        tpu.enqueue_dma source(%dma_start3A_96 : memref<128xi32, #tpu.memory_space<hbm>>) target(%dma_start3A_93 : memref<128xi32, #tpu.memory_space<vmem>>) target_semaphore(%run_scoped3A_85 : memref<!tpu.dma_semaphore, #tpu.memory_space<semaphore_mem>>)
        %dma_wait3A = arith.constant 0 : i32
        %dma_wait3A_97 = tpu.memref_slice %arg4[%run_scoped3A_72, %dma_wait3A] : memref<80x128xi32, #tpu.memory_space<vmem>> -> memref<1x128xi32, #tpu.memory_space<vmem>>
        %dma_wait3A_98 = tpu.memref_squeeze %dma_wait3A_97 : memref<1x128xi32, #tpu.memory_space<vmem>> -> memref<128xi32, #tpu.memory_space<vmem>>
        %dma_wait3A_99 = arith.constant 0 : i32
        %dma_wait3A_100 = tpu.memref_slice %arg2[%run_scoped3A_71, %add3A_70, %dma_wait3A_99] : memref<2x2500x128xi32, #tpu.memory_space<hbm>> -> memref<1x1x128xi32, #tpu.memory_space<hbm>>
        %dma_wait3A_101 = tpu.memref_squeeze %dma_wait3A_100 : memref<1x1x128xi32, #tpu.memory_space<hbm>> -> memref<128xi32, #tpu.memory_space<hbm>>
        %dma_wait3A_102 = arith.constant 0 : i32
        %dma_wait3A_103 = tpu.memref_slice %arg4[%run_scoped3A_72, %dma_wait3A_102] : memref<80x128xi32, #tpu.memory_space<vmem>> -> memref<1x128xi32, #tpu.memory_space<vmem>>
        %dma_wait3A_104 = tpu.memref_squeeze %dma_wait3A_103 : memref<1x128xi32, #tpu.memory_space<vmem>> -> memref<128xi32, #tpu.memory_space<vmem>>
        %dma_wait3A_105 = arith.constant 0 : i32
        %dma_wait3A_106 = tpu.memref_slice %arg2[%run_scoped3A_71, %add3A_70, %dma_wait3A_105] : memref<2x2500x128xi32, #tpu.memory_space<hbm>> -> memref<1x1x128xi32, #tpu.memory_space<hbm>>
        %dma_wait3A_107 = tpu.memref_squeeze %dma_wait3A_106 : memref<1x1x128xi32, #tpu.memory_space<hbm>> -> memref<128xi32, #tpu.memory_space<hbm>>
        tpu.wait_dma2 semaphore(%run_scoped3A_85 : memref<!tpu.dma_semaphore, #tpu.memory_space<semaphore_mem>>) src(%dma_wait3A_107 : memref<128xi32, #tpu.memory_space<hbm>>) dst(%dma_wait3A_104 : memref<128xi32, #tpu.memory_space<vmem>>)
        tpu.yield
      }) : () -> ()
      %add3A_73 = arith.constant 72 : i32
      %add3A_74 = arith.addi %add3A_15, %add3A_73 : i32
      %add3A_75 = arith.constant 2 : i32
      %add3A_76 = arith.addi %add3A_74, %add3A_75 : i32
      %run_scoped3A_77 = arith.constant 1 : i32
      %run_scoped3A_78 = arith.constant 74 : i32
      "tpu.region"() ({
        %run_scoped3A_85 = tpu.sem_alloc : memref<!tpu.dma_semaphore, #tpu.memory_space<semaphore_mem>>
        %dma_start3A = arith.constant 0 : i32
        %dma_start3A_86 = tpu.memref_slice %arg4[%run_scoped3A_78, %dma_start3A] : memref<80x128xi32, #tpu.memory_space<vmem>> -> memref<1x128xi32, #tpu.memory_space<vmem>>
        %dma_start3A_87 = tpu.memref_squeeze %dma_start3A_86 : memref<1x128xi32, #tpu.memory_space<vmem>> -> memref<128xi32, #tpu.memory_space<vmem>>
        %dma_start3A_88 = arith.constant 0 : i32
        %dma_start3A_89 = tpu.memref_slice %arg2[%run_scoped3A_77, %add3A_76, %dma_start3A_88] : memref<2x2500x128xi32, #tpu.memory_space<hbm>> -> memref<1x1x128xi32, #tpu.memory_space<hbm>>
        %dma_start3A_90 = tpu.memref_squeeze %dma_start3A_89 : memref<1x1x128xi32, #tpu.memory_space<hbm>> -> memref<128xi32, #tpu.memory_space<hbm>>
        %dma_start3A_91 = arith.constant 0 : i32
        %dma_start3A_92 = tpu.memref_slice %arg4[%run_scoped3A_78, %dma_start3A_91] : memref<80x128xi32, #tpu.memory_space<vmem>> -> memref<1x128xi32, #tpu.memory_space<vmem>>
        %dma_start3A_93 = tpu.memref_squeeze %dma_start3A_92 : memref<1x128xi32, #tpu.memory_space<vmem>> -> memref<128xi32, #tpu.memory_space<vmem>>
        %dma_start3A_94 = arith.constant 0 : i32
        %dma_start3A_95 = tpu.memref_slice %arg2[%run_scoped3A_77, %add3A_76, %dma_start3A_94] : memref<2x2500x128xi32, #tpu.memory_space<hbm>> -> memref<1x1x128xi32, #tpu.memory_space<hbm>>
        %dma_start3A_96 = tpu.memref_squeeze %dma_start3A_95 : memref<1x1x128xi32, #tpu.memory_space<hbm>> -> memref<128xi32, #tpu.memory_space<hbm>>
        tpu.enqueue_dma source(%dma_start3A_96 : memref<128xi32, #tpu.memory_space<hbm>>) target(%dma_start3A_93 : memref<128xi32, #tpu.memory_space<vmem>>) target_semaphore(%run_scoped3A_85 : memref<!tpu.dma_semaphore, #tpu.memory_space<semaphore_mem>>)
        %dma_wait3A = arith.constant 0 : i32
        %dma_wait3A_97 = tpu.memref_slice %arg4[%run_scoped3A_78, %dma_wait3A] : memref<80x128xi32, #tpu.memory_space<vmem>> -> memref<1x128xi32, #tpu.memory_space<vmem>>
        %dma_wait3A_98 = tpu.memref_squeeze %dma_wait3A_97 : memref<1x128xi32, #tpu.memory_space<vmem>> -> memref<128xi32, #tpu.memory_space<vmem>>
        %dma_wait3A_99 = arith.constant 0 : i32
        %dma_wait3A_100 = tpu.memref_slice %arg2[%run_scoped3A_77, %add3A_76, %dma_wait3A_99] : memref<2x2500x128xi32, #tpu.memory_space<hbm>> -> memref<1x1x128xi32, #tpu.memory_space<hbm>>
        %dma_wait3A_101 = tpu.memref_squeeze %dma_wait3A_100 : memref<1x1x128xi32, #tpu.memory_space<hbm>> -> memref<128xi32, #tpu.memory_space<hbm>>
        %dma_wait3A_102 = arith.constant 0 : i32
        %dma_wait3A_103 = tpu.memref_slice %arg4[%run_scoped3A_78, %dma_wait3A_102] : memref<80x128xi32, #tpu.memory_space<vmem>> -> memref<1x128xi32, #tpu.memory_space<vmem>>
        %dma_wait3A_104 = tpu.memref_squeeze %dma_wait3A_103 : memref<1x128xi32, #tpu.memory_space<vmem>> -> memref<128xi32, #tpu.memory_space<vmem>>
        %dma_wait3A_105 = arith.constant 0 : i32
        %dma_wait3A_106 = tpu.memref_slice %arg2[%run_scoped3A_77, %add3A_76, %dma_wait3A_105] : memref<2x2500x128xi32, #tpu.memory_space<hbm>> -> memref<1x1x128xi32, #tpu.memory_space<hbm>>
        %dma_wait3A_107 = tpu.memref_squeeze %dma_wait3A_106 : memref<1x1x128xi32, #tpu.memory_space<hbm>> -> memref<128xi32, #tpu.memory_space<hbm>>
        tpu.wait_dma2 semaphore(%run_scoped3A_85 : memref<!tpu.dma_semaphore, #tpu.memory_space<semaphore_mem>>) src(%dma_wait3A_107 : memref<128xi32, #tpu.memory_space<hbm>>) dst(%dma_wait3A_104 : memref<128xi32, #tpu.memory_space<vmem>>)
        tpu.yield
      }) : () -> ()
      %add3A_79 = arith.constant 72 : i32
      %add3A_80 = arith.addi %add3A_15, %add3A_79 : i32
      %add3A_81 = arith.constant 3 : i32
      %add3A_82 = arith.addi %add3A_80, %add3A_81 : i32
      %run_scoped3A_83 = arith.constant 1 : i32
      %run_scoped3A_84 = arith.constant 75 : i32
      "tpu.region"() ({
        %run_scoped3A_85 = tpu.sem_alloc : memref<!tpu.dma_semaphore, #tpu.memory_space<semaphore_mem>>
        %dma_start3A = arith.constant 0 : i32
        %dma_start3A_86 = tpu.memref_slice %arg4[%run_scoped3A_84, %dma_start3A] : memref<80x128xi32, #tpu.memory_space<vmem>> -> memref<1x128xi32, #tpu.memory_space<vmem>>
        %dma_start3A_87 = tpu.memref_squeeze %dma_start3A_86 : memref<1x128xi32, #tpu.memory_space<vmem>> -> memref<128xi32, #tpu.memory_space<vmem>>
        %dma_start3A_88 = arith.constant 0 : i32
        %dma_start3A_89 = tpu.memref_slice %arg2[%run_scoped3A_83, %add3A_82, %dma_start3A_88] : memref<2x2500x128xi32, #tpu.memory_space<hbm>> -> memref<1x1x128xi32, #tpu.memory_space<hbm>>
        %dma_start3A_90 = tpu.memref_squeeze %dma_start3A_89 : memref<1x1x128xi32, #tpu.memory_space<hbm>> -> memref<128xi32, #tpu.memory_space<hbm>>
        %dma_start3A_91 = arith.constant 0 : i32
        %dma_start3A_92 = tpu.memref_slice %arg4[%run_scoped3A_84, %dma_start3A_91] : memref<80x128xi32, #tpu.memory_space<vmem>> -> memref<1x128xi32, #tpu.memory_space<vmem>>
        %dma_start3A_93 = tpu.memref_squeeze %dma_start3A_92 : memref<1x128xi32, #tpu.memory_space<vmem>> -> memref<128xi32, #tpu.memory_space<vmem>>
        %dma_start3A_94 = arith.constant 0 : i32
        %dma_start3A_95 = tpu.memref_slice %arg2[%run_scoped3A_83, %add3A_82, %dma_start3A_94] : memref<2x2500x128xi32, #tpu.memory_space<hbm>> -> memref<1x1x128xi32, #tpu.memory_space<hbm>>
        %dma_start3A_96 = tpu.memref_squeeze %dma_start3A_95 : memref<1x1x128xi32, #tpu.memory_space<hbm>> -> memref<128xi32, #tpu.memory_space<hbm>>
        tpu.enqueue_dma source(%dma_start3A_96 : memref<128xi32, #tpu.memory_space<hbm>>) target(%dma_start3A_93 : memref<128xi32, #tpu.memory_space<vmem>>) target_semaphore(%run_scoped3A_85 : memref<!tpu.dma_semaphore, #tpu.memory_space<semaphore_mem>>)
        %dma_wait3A = arith.constant 0 : i32
        %dma_wait3A_97 = tpu.memref_slice %arg4[%run_scoped3A_84, %dma_wait3A] : memref<80x128xi32, #tpu.memory_space<vmem>> -> memref<1x128xi32, #tpu.memory_space<vmem>>
        %dma_wait3A_98 = tpu.memref_squeeze %dma_wait3A_97 : memref<1x128xi32, #tpu.memory_space<vmem>> -> memref<128xi32, #tpu.memory_space<vmem>>
        %dma_wait3A_99 = arith.constant 0 : i32
        %dma_wait3A_100 = tpu.memref_slice %arg2[%run_scoped3A_83, %add3A_82, %dma_wait3A_99] : memref<2x2500x128xi32, #tpu.memory_space<hbm>> -> memref<1x1x128xi32, #tpu.memory_space<hbm>>
        %dma_wait3A_101 = tpu.memref_squeeze %dma_wait3A_100 : memref<1x1x128xi32, #tpu.memory_space<hbm>> -> memref<128xi32, #tpu.memory_space<hbm>>
        %dma_wait3A_102 = arith.constant 0 : i32
        %dma_wait3A_103 = tpu.memref_slice %arg4[%run_scoped3A_84, %dma_wait3A_102] : memref<80x128xi32, #tpu.memory_space<vmem>> -> memref<1x128xi32, #tpu.memory_space<vmem>>
        %dma_wait3A_104 = tpu.memref_squeeze %dma_wait3A_103 : memref<1x128xi32, #tpu.memory_space<vmem>> -> memref<128xi32, #tpu.memory_space<vmem>>
        %dma_wait3A_105 = arith.constant 0 : i32
        %dma_wait3A_106 = tpu.memref_slice %arg2[%run_scoped3A_83, %add3A_82, %dma_wait3A_105] : memref<2x2500x128xi32, #tpu.memory_space<hbm>> -> memref<1x1x128xi32, #tpu.memory_space<hbm>>
        %dma_wait3A_107 = tpu.memref_squeeze %dma_wait3A_106 : memref<1x1x128xi32, #tpu.memory_space<hbm>> -> memref<128xi32, #tpu.memory_space<hbm>>
        tpu.wait_dma2 semaphore(%run_scoped3A_85 : memref<!tpu.dma_semaphore, #tpu.memory_space<semaphore_mem>>) src(%dma_wait3A_107 : memref<128xi32, #tpu.memory_space<hbm>>) dst(%dma_wait3A_104 : memref<128xi32, #tpu.memory_space<vmem>>)
        tpu.yield
      }) : () -> ()
    } else {
    }
    %while3A = arith.constant 0 : i32
    %while3A_45 = arith.constant 0 : i32
    %while3A_46 = arith.subi %add3A_9, %while3A : i32
    %while3A_47 = arith.addi %while3A, %while3A_46 : i32
    %while3A_48 = arith.constant 1 : i32
    %while3A_49 = arith.divsi %while3A_46, %while3A_48 : i32
    %while3A_50 = arith.muli %while3A_49, %while3A_48 : i32
    %while3A_51 = arith.addi %while3A, %while3A_50 : i32
    %while3A_52 = arith.constant 1 : i32
    %while3A_53 = scf.for %while3A_61 = %while3A to %while3A_51 step %while3A_52 iter_args(%while3A_62 = %while3A_45) -> (i32)  : i32 {
      "tpu.region"() ({
        %run_scoped3A = tpu.sem_alloc : memref<!tpu.dma_semaphore, #tpu.memory_space<semaphore_mem>>
        %dma_start3A = arith.constant 0 : i32
        %dma_start3A_64 = tpu.memref_slice %arg4[%while3A_61, %dma_start3A] : memref<80x128xi32, #tpu.memory_space<vmem>> -> memref<1x128xi32, #tpu.memory_space<vmem>>
        %dma_start3A_65 = tpu.memref_squeeze %dma_start3A_64 : memref<1x128xi32, #tpu.memory_space<vmem>> -> memref<128xi32, #tpu.memory_space<vmem>>
        %dma_start3A_66 = arith.constant 0 : i32
        %dma_start3A_67 = tpu.memref_slice %arg7[%dma_start3A_66] : memref<10240xf32, #tpu.memory_space<vmem_shared>> -> memref<10240xf32, #tpu.memory_space<vmem_shared>>
        tpu.enqueue_indirect_dma source(%arg5 : memref<128xf32, #tpu.memory_space<vmem>>) target(%dma_start3A_67 : memref<10240xf32, #tpu.memory_space<vmem_shared>>) offsets(%dma_start3A_65 : memref<128xi32, #tpu.memory_space<vmem>>) semaphore(%run_scoped3A : memref<!tpu.dma_semaphore, #tpu.memory_space<semaphore_mem>>) {add = true}
        %dma_wait3A = arith.constant 0 : i32
        %dma_wait3A_68 = tpu.memref_slice %arg4[%while3A_61, %dma_wait3A] : memref<80x128xi32, #tpu.memory_space<vmem>> -> memref<1x128xi32, #tpu.memory_space<vmem>>
        %dma_wait3A_69 = tpu.memref_squeeze %dma_wait3A_68 : memref<1x128xi32, #tpu.memory_space<vmem>> -> memref<128xi32, #tpu.memory_space<vmem>>
        %dma_wait3A_70 = arith.constant 0 : i32
        %dma_wait3A_71 = tpu.memref_slice %arg7[%dma_wait3A_70] : memref<10240xf32, #tpu.memory_space<vmem_shared>> -> memref<10240xf32, #tpu.memory_space<vmem_shared>>
        tpu.wait_indirect_dma semaphore(%run_scoped3A : memref<!tpu.dma_semaphore, #tpu.memory_space<semaphore_mem>>) src(%arg5 : memref<128xf32, #tpu.memory_space<vmem>>) dst(%dma_wait3A_71 : memref<10240xf32, #tpu.memory_space<vmem_shared>>)
        tpu.yield
      }) : () -> ()
      %while3A_63 = arith.constant 0 : i32
      scf.yield %while3A_63 : i32
    }
    %while3A_54 = arith.constant 1 : i32
    %while3A_55 = scf.for %while3A_61 = %while3A_51 to %while3A_47 step %while3A_54 iter_args(%while3A_62 = %while3A_53) -> (i32)  : i32 {
      "tpu.region"() ({
        %run_scoped3A = tpu.sem_alloc : memref<!tpu.dma_semaphore, #tpu.memory_space<semaphore_mem>>
        %dma_start3A = arith.constant 0 : i32
        %dma_start3A_64 = tpu.memref_slice %arg4[%while3A_61, %dma_start3A] : memref<80x128xi32, #tpu.memory_space<vmem>> -> memref<1x128xi32, #tpu.memory_space<vmem>>
        %dma_start3A_65 = tpu.memref_squeeze %dma_start3A_64 : memref<1x128xi32, #tpu.memory_space<vmem>> -> memref<128xi32, #tpu.memory_space<vmem>>
        %dma_start3A_66 = arith.constant 0 : i32
        %dma_start3A_67 = tpu.memref_slice %arg7[%dma_start3A_66] : memref<10240xf32, #tpu.memory_space<vmem_shared>> -> memref<10240xf32, #tpu.memory_space<vmem_shared>>
        tpu.enqueue_indirect_dma source(%arg5 : memref<128xf32, #tpu.memory_space<vmem>>) target(%dma_start3A_67 : memref<10240xf32, #tpu.memory_space<vmem_shared>>) offsets(%dma_start3A_65 : memref<128xi32, #tpu.memory_space<vmem>>) semaphore(%run_scoped3A : memref<!tpu.dma_semaphore, #tpu.memory_space<semaphore_mem>>) {add = true}
        %dma_wait3A = arith.constant 0 : i32
        %dma_wait3A_68 = tpu.memref_slice %arg4[%while3A_61, %dma_wait3A] : memref<80x128xi32, #tpu.memory_space<vmem>> -> memref<1x128xi32, #tpu.memory_space<vmem>>
        %dma_wait3A_69 = tpu.memref_squeeze %dma_wait3A_68 : memref<1x128xi32, #tpu.memory_space<vmem>> -> memref<128xi32, #tpu.memory_space<vmem>>
        %dma_wait3A_70 = arith.constant 0 : i32
        %dma_wait3A_71 = tpu.memref_slice %arg7[%dma_wait3A_70] : memref<10240xf32, #tpu.memory_space<vmem_shared>> -> memref<10240xf32, #tpu.memory_space<vmem_shared>>
        tpu.wait_indirect_dma semaphore(%run_scoped3A : memref<!tpu.dma_semaphore, #tpu.memory_space<semaphore_mem>>) src(%arg5 : memref<128xf32, #tpu.memory_space<vmem>>) dst(%dma_wait3A_71 : memref<10240xf32, #tpu.memory_space<vmem_shared>>)
        tpu.yield
      }) : () -> ()
      %while3A_63 = arith.constant 0 : i32
      scf.yield %while3A_63 : i32
    }
    %barrier3A_56 = arith.constant 0 : index
    tpu.barrier barrier_id(%barrier3A_56)
    %mul3A_57 = arith.constant 640 : i32
    %mul3A_58 = arith.muli %arg1, %mul3A_57 : i32
    %mul3A_59 = arith.constant 640 : i32
    %mul3A_60 = arith.muli %arg1, %mul3A_59 : i32
    "tpu.region"() ({
      %run_scoped3A = tpu.sem_alloc : memref<!tpu.dma_semaphore, #tpu.memory_space<semaphore_mem>>
      %dma_start3A = tpu.memref_slice %arg3[%arg0, %mul3A_60] : memref<2x10240xf32, #tpu.memory_space<hbm>> -> memref<1x640xf32, #tpu.memory_space<hbm>>
      %dma_start3A_61 = tpu.memref_squeeze %dma_start3A : memref<1x640xf32, #tpu.memory_space<hbm>> -> memref<640xf32, #tpu.memory_space<hbm>>
      %dma_start3A_62 = tpu.memref_slice %arg7[%mul3A_58] : memref<10240xf32, #tpu.memory_space<vmem_shared>> -> memref<640xf32, #tpu.memory_space<vmem_shared>>
      tpu.enqueue_dma source(%dma_start3A_62 : memref<640xf32, #tpu.memory_space<vmem_shared>>) target(%dma_start3A_61 : memref<640xf32, #tpu.memory_space<hbm>>) target_semaphore(%run_scoped3A : memref<!tpu.dma_semaphore, #tpu.memory_space<semaphore_mem>>)
      %dma_wait3A = tpu.memref_slice %arg3[%arg0, %mul3A_60] : memref<2x10240xf32, #tpu.memory_space<hbm>> -> memref<1x640xf32, #tpu.memory_space<hbm>>
      %dma_wait3A_63 = tpu.memref_squeeze %dma_wait3A : memref<1x640xf32, #tpu.memory_space<hbm>> -> memref<640xf32, #tpu.memory_space<hbm>>
      %dma_wait3A_64 = tpu.memref_slice %arg7[%mul3A_58] : memref<10240xf32, #tpu.memory_space<vmem_shared>> -> memref<640xf32, #tpu.memory_space<vmem_shared>>
      tpu.wait_dma2 semaphore(%run_scoped3A : memref<!tpu.dma_semaphore, #tpu.memory_space<semaphore_mem>>) src(%dma_wait3A_64 : memref<640xf32, #tpu.memory_space<vmem_shared>>) dst(%dma_wait3A_63 : memref<640xf32, #tpu.memory_space<hbm>>)
      tpu.yield
    }) : () -> ()
    return
  }
}

#map = affine_map<(d0, d1) -> (0, 0, 0)>
#map1 = affine_map<(d0, d1) -> (0, 0)>
module attributes {stable_mosaic.version = 14 : i64} {
  func.func @_scatter_body(%arg0: i32, %arg1: i32, %arg2: memref<2x2500x128xi32, #tpu.memory_space<hbm>>, %arg3: memref<10240x128xf32, #tpu.memory_space<hbm>>, %arg4: memref<2x10240x128xf32, #tpu.memory_space<hbm>>, %arg5: memref<2x128xi32, #tpu.memory_space<vmem>>, %arg6: memref<3x128xi32, #tpu.memory_space<vmem>>, %arg7: memref<2x128x128xf32, #tpu.memory_space<vmem>>, %arg8: memref<10240x128xf32, #tpu.memory_space<vmem_shared>>, %arg9: memref<!tpu.dma_semaphore, #tpu.memory_space<semaphore_mem>>, %arg10: memref<!tpu.dma_semaphore, #tpu.memory_space<semaphore_mem>>, %arg11: memref<!tpu.dma_semaphore, #tpu.memory_space<semaphore_mem>>) attributes {dimension_semantics = [#tpu.dimension_semantics<core_parallel>, #tpu.dimension_semantics<subcore_parallel>], iteration_bounds = array<i64: 2, 16>, scalar_prefetch = 0 : i64, scratch_operands = 7 : i64, tpu.core_type = #tpu.core_type<sc_vector_subcore>, window_params = [{transform_indices = #map}, {transform_indices = #map1}, {transform_indices = #map}]} {
    %eq3A = arith.constant 0 : i32
    %eq3A_0 = arith.cmpi eq, %arg0, %eq3A : i32
    %lt3A = arith.constant 4 : i32
    %lt3A_1 = arith.cmpi slt, %arg1, %lt3A : i32
    %jit3A = arith.constant 1 : i32
    %jit3A_2 = arith.constant 0 : i32
    %select_n3A = arith.select %lt3A_1, %jit3A, %jit3A_2 : i32
    %add3A = arith.constant 78 : i32
    %add3A_3 = arith.addi %add3A, %select_n3A : i32
    %jit3A_4 = arith.constant 78 : i32
    %select_n3A_5 = arith.select %eq3A_0, %add3A_3, %jit3A_4 : i32
    %eq3A_6 = arith.constant 0 : i32
    %eq3A_7 = arith.cmpi eq, %arg0, %eq3A_6 : i32
    %mul3A = arith.constant 78 : i32
    %mul3A_8 = arith.muli %arg1, %mul3A : i32
    %min3A = arith.constant 4 : i32
    %min3A_9 = arith.minsi %arg1, %min3A : i32
    %add3A_10 = arith.addi %mul3A_8, %min3A_9 : i32
    %mul3A_11 = arith.constant 78 : i32
    %mul3A_12 = arith.muli %arg1, %mul3A_11 : i32
    %add3A_13 = arith.constant 1252 : i32
    %add3A_14 = arith.addi %add3A_13, %mul3A_12 : i32
    %select_n3A_15 = arith.select %eq3A_7, %add3A_10, %add3A_14 : i32
    %scan3A = arith.constant 0 : i32
    %scan3A_16 = arith.constant 0 : i32
    %scan3A_17 = arith.constant 128 : i32
    %scan3A_18 = arith.addi %scan3A_16, %scan3A_17 : i32
    %scan3A_19 = arith.constant 1 : i32
    %scan3A_20 = scf.for %scan3A_88 = %scan3A_16 to %scan3A_18 step %scan3A_19 iter_args(%scan3A_89 = %scan3A) -> (i32)  : i32 {
      %broadcast_in_dim3A = arith.constant 0.000000e+00 : f32
      %broadcast_in_dim3A_90 = vector.broadcast %broadcast_in_dim3A : f32 to vector<128xf32>
      %swap3A = arith.constant 0 : i32
      %swap3A_91 = arith.index_cast %swap3A : i32 to index
      %swap3A_92 = arith.index_cast %scan3A_88 : i32 to index
      %swap3A_93 = arith.constant 0 : index
      %swap3A_94 = tpu.vector_load %arg7[%swap3A_91, %swap3A_92, %swap3A_93] {strides = array<i32>} : memref<2x128x128xf32, #tpu.memory_space<vmem>>, vector<1x1x128xf32>,
      %swap3A_95 = vector.shape_cast %swap3A_94 : vector<1x1x128xf32> to vector<128xf32>
      %swap3A_96 = vector.shape_cast %broadcast_in_dim3A_90 : vector<128xf32> to vector<1x1x128xf32>
      tpu.vector_store %arg7[%swap3A_91, %swap3A_92, %swap3A_93], %swap3A_96 {strides = array<i32>} : memref<2x128x128xf32, #tpu.memory_space<vmem>>, vector<1x1x128xf32>,
      %scan3A_97 = arith.constant 0 : i32
      scf.yield %scan3A_97 : i32
    }
    %scan3A_21 = arith.constant 128 : i32
    %scan3A_22 = arith.constant 0 : i32
    %scan3A_23 = arith.constant 0 : i32
    %scan3A_24 = arith.constant 5 : i32
    %scan3A_25 = arith.addi %scan3A_23, %scan3A_24 : i32
    %scan3A_26 = arith.constant 1 : i32
    %scan3A_27 = scf.for %scan3A_88 = %scan3A_23 to %scan3A_25 step %scan3A_26 iter_args(%scan3A_89 = %scan3A_22) -> (i32)  : i32 {
      %mul3A_90 = arith.constant 640 : i32
      %mul3A_91 = arith.muli %arg1, %mul3A_90 : i32
      %mul3A_92 = arith.constant 128 : i32
      %mul3A_93 = arith.muli %scan3A_88, %mul3A_92 : i32
      %add3A_94 = arith.addi %mul3A_91, %mul3A_93 : i32
      %run_scoped3A_95 = arith.constant 0 : i32
      "tpu.region"() ({
        %run_scoped3A_97 = tpu.sem_alloc : memref<!tpu.dma_semaphore, #tpu.memory_space<semaphore_mem>>
        %dma_start3A_98 = arith.constant 0 : i32
        %dma_start3A_99 = arith.constant 0 : i32
        %dma_start3A_100 = tpu.memref_slice %arg7[%run_scoped3A_95, %dma_start3A_98, %dma_start3A_99] : memref<2x128x128xf32, #tpu.memory_space<vmem>> -> memref<1x128x128xf32, #tpu.memory_space<vmem>>
        %dma_start3A_101 = tpu.memref_squeeze %dma_start3A_100 : memref<1x128x128xf32, #tpu.memory_space<vmem>> -> memref<128x128xf32, #tpu.memory_space<vmem>>
        %dma_start3A_102 = arith.constant 0 : i32
        %dma_start3A_103 = tpu.memref_slice %arg8[%add3A_94, %dma_start3A_102] : memref<10240x128xf32, #tpu.memory_space<vmem_shared>> -> memref<128x128xf32, #tpu.memory_space<vmem_shared>>
        %dma_start3A_104 = arith.constant 0 : i32
        %dma_start3A_105 = tpu.memref_slice %arg8[%add3A_94, %dma_start3A_104] : memref<10240x128xf32, #tpu.memory_space<vmem_shared>> -> memref<128x128xf32, #tpu.memory_space<vmem_shared>>
        %dma_start3A_106 = arith.constant 0 : i32
        %dma_start3A_107 = arith.constant 0 : i32
        %dma_start3A_108 = tpu.memref_slice %arg7[%run_scoped3A_95, %dma_start3A_106, %dma_start3A_107] : memref<2x128x128xf32, #tpu.memory_space<vmem>> -> memref<1x128x128xf32, #tpu.memory_space<vmem>>
        %dma_start3A_109 = tpu.memref_squeeze %dma_start3A_108 : memref<1x128x128xf32, #tpu.memory_space<vmem>> -> memref<128x128xf32, #tpu.memory_space<vmem>>
        tpu.enqueue_dma source(%dma_start3A_109 : memref<128x128xf32, #tpu.memory_space<vmem>>) target(%dma_start3A_105 : memref<128x128xf32, #tpu.memory_space<vmem_shared>>) target_semaphore(%run_scoped3A_97 : memref<!tpu.dma_semaphore, #tpu.memory_space<semaphore_mem>>)
        %dma_wait3A_110 = arith.constant 0 : i32
        %dma_wait3A_111 = arith.constant 0 : i32
        %dma_wait3A_112 = tpu.memref_slice %arg7[%run_scoped3A_95, %dma_wait3A_110, %dma_wait3A_111] : memref<2x128x128xf32, #tpu.memory_space<vmem>> -> memref<1x128x128xf32, #tpu.memory_space<vmem>>
        %dma_wait3A_113 = tpu.memref_squeeze %dma_wait3A_112 : memref<1x128x128xf32, #tpu.memory_space<vmem>> -> memref<128x128xf32, #tpu.memory_space<vmem>>
        %dma_wait3A_114 = arith.constant 0 : i32
        %dma_wait3A_115 = tpu.memref_slice %arg8[%add3A_94, %dma_wait3A_114] : memref<10240x128xf32, #tpu.memory_space<vmem_shared>> -> memref<128x128xf32, #tpu.memory_space<vmem_shared>>
        %dma_wait3A_116 = arith.constant 0 : i32
        %dma_wait3A_117 = tpu.memref_slice %arg8[%add3A_94, %dma_wait3A_116] : memref<10240x128xf32, #tpu.memory_space<vmem_shared>> -> memref<128x128xf32, #tpu.memory_space<vmem_shared>>
        %dma_wait3A_118 = arith.constant 0 : i32
        %dma_wait3A_119 = arith.constant 0 : i32
        %dma_wait3A_120 = tpu.memref_slice %arg7[%run_scoped3A_95, %dma_wait3A_118, %dma_wait3A_119] : memref<2x128x128xf32, #tpu.memory_space<vmem>> -> memref<1x128x128xf32, #tpu.memory_space<vmem>>
        %dma_wait3A_121 = tpu.memref_squeeze %dma_wait3A_120 : memref<1x128x128xf32, #tpu.memory_space<vmem>> -> memref<128x128xf32, #tpu.memory_space<vmem>>
        tpu.wait_dma2 semaphore(%run_scoped3A_97 : memref<!tpu.dma_semaphore, #tpu.memory_space<semaphore_mem>>) src(%dma_wait3A_121 : memref<128x128xf32, #tpu.memory_space<vmem>>) dst(%dma_wait3A_117 : memref<128x128xf32, #tpu.memory_space<vmem_shared>>)
        tpu.yield
      }) : () -> ()
      %scan3A_96 = arith.constant 0 : i32
      scf.yield %scan3A_96 : i32
    }
    %scan3A_28 = arith.constant 5 : i32
    %mul3A_29 = arith.constant 640 : i32
    %mul3A_30 = arith.muli %arg1, %mul3A_29 : i32
    %add3A_31 = arith.constant 640 : i32
    %add3A_32 = arith.addi %mul3A_30, %add3A_31 : i32
    %run_scoped3A = arith.constant 0 : i32
    "tpu.region"() ({
      %run_scoped3A_88 = tpu.sem_alloc : memref<!tpu.dma_semaphore, #tpu.memory_space<semaphore_mem>>
      %dma_start3A_89 = arith.constant 0 : i32
      %dma_start3A_90 = arith.constant 0 : i32
      %dma_start3A_91 = tpu.memref_slice %arg7[%run_scoped3A, %dma_start3A_89, %dma_start3A_90] : memref<2x128x128xf32, #tpu.memory_space<vmem>> -> memref<1x0x128xf32, #tpu.memory_space<vmem>>
      %dma_start3A_92 = tpu.memref_squeeze %dma_start3A_91 : memref<1x0x128xf32, #tpu.memory_space<vmem>> -> memref<0x128xf32, #tpu.memory_space<vmem>>
      %dma_start3A_93 = arith.constant 0 : i32
      %dma_start3A_94 = tpu.memref_slice %arg8[%add3A_32, %dma_start3A_93] : memref<10240x128xf32, #tpu.memory_space<vmem_shared>> -> memref<0x128xf32, #tpu.memory_space<vmem_shared>>
      %dma_start3A_95 = arith.constant 0 : i32
      %dma_start3A_96 = tpu.memref_slice %arg8[%add3A_32, %dma_start3A_95] : memref<10240x128xf32, #tpu.memory_space<vmem_shared>> -> memref<0x128xf32, #tpu.memory_space<vmem_shared>>
      %dma_start3A_97 = arith.constant 0 : i32
      %dma_start3A_98 = arith.constant 0 : i32
      %dma_start3A_99 = tpu.memref_slice %arg7[%run_scoped3A, %dma_start3A_97, %dma_start3A_98] : memref<2x128x128xf32, #tpu.memory_space<vmem>> -> memref<1x0x128xf32, #tpu.memory_space<vmem>>
      %dma_start3A_100 = tpu.memref_squeeze %dma_start3A_99 : memref<1x0x128xf32, #tpu.memory_space<vmem>> -> memref<0x128xf32, #tpu.memory_space<vmem>>
      tpu.enqueue_dma source(%dma_start3A_100 : memref<0x128xf32, #tpu.memory_space<vmem>>) target(%dma_start3A_96 : memref<0x128xf32, #tpu.memory_space<vmem_shared>>) target_semaphore(%run_scoped3A_88 : memref<!tpu.dma_semaphore, #tpu.memory_space<semaphore_mem>>)
      %dma_wait3A_101 = arith.constant 0 : i32
      %dma_wait3A_102 = arith.constant 0 : i32
      %dma_wait3A_103 = tpu.memref_slice %arg7[%run_scoped3A, %dma_wait3A_101, %dma_wait3A_102] : memref<2x128x128xf32, #tpu.memory_space<vmem>> -> memref<1x0x128xf32, #tpu.memory_space<vmem>>
      %dma_wait3A_104 = tpu.memref_squeeze %dma_wait3A_103 : memref<1x0x128xf32, #tpu.memory_space<vmem>> -> memref<0x128xf32, #tpu.memory_space<vmem>>
      %dma_wait3A_105 = arith.constant 0 : i32
      %dma_wait3A_106 = tpu.memref_slice %arg8[%add3A_32, %dma_wait3A_105] : memref<10240x128xf32, #tpu.memory_space<vmem_shared>> -> memref<0x128xf32, #tpu.memory_space<vmem_shared>>
      %dma_wait3A_107 = arith.constant 0 : i32
      %dma_wait3A_108 = tpu.memref_slice %arg8[%add3A_32, %dma_wait3A_107] : memref<10240x128xf32, #tpu.memory_space<vmem_shared>> -> memref<0x128xf32, #tpu.memory_space<vmem_shared>>
      %dma_wait3A_109 = arith.constant 0 : i32
      %dma_wait3A_110 = arith.constant 0 : i32
      %dma_wait3A_111 = tpu.memref_slice %arg7[%run_scoped3A, %dma_wait3A_109, %dma_wait3A_110] : memref<2x128x128xf32, #tpu.memory_space<vmem>> -> memref<1x0x128xf32, #tpu.memory_space<vmem>>
      %dma_wait3A_112 = tpu.memref_squeeze %dma_wait3A_111 : memref<1x0x128xf32, #tpu.memory_space<vmem>> -> memref<0x128xf32, #tpu.memory_space<vmem>>
      tpu.wait_dma2 semaphore(%run_scoped3A_88 : memref<!tpu.dma_semaphore, #tpu.memory_space<semaphore_mem>>) src(%dma_wait3A_112 : memref<0x128xf32, #tpu.memory_space<vmem>>) dst(%dma_wait3A_108 : memref<0x128xf32, #tpu.memory_space<vmem_shared>>)
      tpu.yield
    }) : () -> ()
    %barrier3A = arith.constant 0 : index
    tpu.barrier barrier_id(%barrier3A)
    %run_scoped3A_33 = arith.constant 0 : i32
    %run_scoped3A_34 = arith.constant 0 : i32
    "tpu.region"() ({
      %run_scoped3A_88 = tpu.sem_alloc : memref<!tpu.dma_semaphore, #tpu.memory_space<semaphore_mem>>
      %dma_start3A_89 = arith.constant 0 : i32
      %dma_start3A_90 = tpu.memref_slice %arg5[%run_scoped3A_34, %dma_start3A_89] : memref<2x128xi32, #tpu.memory_space<vmem>> -> memref<1x128xi32, #tpu.memory_space<vmem>>
      %dma_start3A_91 = tpu.memref_squeeze %dma_start3A_90 : memref<1x128xi32, #tpu.memory_space<vmem>> -> memref<128xi32, #tpu.memory_space<vmem>>
      %dma_start3A_92 = arith.constant 0 : i32
      %dma_start3A_93 = tpu.memref_slice %arg2[%run_scoped3A_33, %select_n3A_15, %dma_start3A_92] : memref<2x2500x128xi32, #tpu.memory_space<hbm>> -> memref<1x1x128xi32, #tpu.memory_space<hbm>>
      %dma_start3A_94 = tpu.memref_squeeze %dma_start3A_93 : memref<1x1x128xi32, #tpu.memory_space<hbm>> -> memref<128xi32, #tpu.memory_space<hbm>>
      %dma_start3A_95 = arith.constant 0 : i32
      %dma_start3A_96 = tpu.memref_slice %arg5[%run_scoped3A_34, %dma_start3A_95] : memref<2x128xi32, #tpu.memory_space<vmem>> -> memref<1x128xi32, #tpu.memory_space<vmem>>
      %dma_start3A_97 = tpu.memref_squeeze %dma_start3A_96 : memref<1x128xi32, #tpu.memory_space<vmem>> -> memref<128xi32, #tpu.memory_space<vmem>>
      %dma_start3A_98 = arith.constant 0 : i32
      %dma_start3A_99 = tpu.memref_slice %arg2[%run_scoped3A_33, %select_n3A_15, %dma_start3A_98] : memref<2x2500x128xi32, #tpu.memory_space<hbm>> -> memref<1x1x128xi32, #tpu.memory_space<hbm>>
      %dma_start3A_100 = tpu.memref_squeeze %dma_start3A_99 : memref<1x1x128xi32, #tpu.memory_space<hbm>> -> memref<128xi32, #tpu.memory_space<hbm>>
      tpu.enqueue_dma source(%dma_start3A_100 : memref<128xi32, #tpu.memory_space<hbm>>) target(%dma_start3A_97 : memref<128xi32, #tpu.memory_space<vmem>>) target_semaphore(%run_scoped3A_88 : memref<!tpu.dma_semaphore, #tpu.memory_space<semaphore_mem>>)
      %dma_wait3A_101 = arith.constant 0 : i32
      %dma_wait3A_102 = tpu.memref_slice %arg5[%run_scoped3A_34, %dma_wait3A_101] : memref<2x128xi32, #tpu.memory_space<vmem>> -> memref<1x128xi32, #tpu.memory_space<vmem>>
      %dma_wait3A_103 = tpu.memref_squeeze %dma_wait3A_102 : memref<1x128xi32, #tpu.memory_space<vmem>> -> memref<128xi32, #tpu.memory_space<vmem>>
      %dma_wait3A_104 = arith.constant 0 : i32
      %dma_wait3A_105 = tpu.memref_slice %arg2[%run_scoped3A_33, %select_n3A_15, %dma_wait3A_104] : memref<2x2500x128xi32, #tpu.memory_space<hbm>> -> memref<1x1x128xi32, #tpu.memory_space<hbm>>
      %dma_wait3A_106 = tpu.memref_squeeze %dma_wait3A_105 : memref<1x1x128xi32, #tpu.memory_space<hbm>> -> memref<128xi32, #tpu.memory_space<hbm>>
      %dma_wait3A_107 = arith.constant 0 : i32
      %dma_wait3A_108 = tpu.memref_slice %arg5[%run_scoped3A_34, %dma_wait3A_107] : memref<2x128xi32, #tpu.memory_space<vmem>> -> memref<1x128xi32, #tpu.memory_space<vmem>>
      %dma_wait3A_109 = tpu.memref_squeeze %dma_wait3A_108 : memref<1x128xi32, #tpu.memory_space<vmem>> -> memref<128xi32, #tpu.memory_space<vmem>>
      %dma_wait3A_110 = arith.constant 0 : i32
      %dma_wait3A_111 = tpu.memref_slice %arg2[%run_scoped3A_33, %select_n3A_15, %dma_wait3A_110] : memref<2x2500x128xi32, #tpu.memory_space<hbm>> -> memref<1x1x128xi32, #tpu.memory_space<hbm>>
      %dma_wait3A_112 = tpu.memref_squeeze %dma_wait3A_111 : memref<1x1x128xi32, #tpu.memory_space<hbm>> -> memref<128xi32, #tpu.memory_space<hbm>>
      tpu.wait_dma2 semaphore(%run_scoped3A_88 : memref<!tpu.dma_semaphore, #tpu.memory_space<semaphore_mem>>) src(%dma_wait3A_112 : memref<128xi32, #tpu.memory_space<hbm>>) dst(%dma_wait3A_109 : memref<128xi32, #tpu.memory_space<vmem>>)
      tpu.yield
    }) : () -> ()
    %run_scoped3A_35 = arith.constant 1 : i32
    %run_scoped3A_36 = arith.constant 0 : i32
    "tpu.region"() ({
      %run_scoped3A_88 = tpu.sem_alloc : memref<!tpu.dma_semaphore, #tpu.memory_space<semaphore_mem>>
      %dma_start3A_89 = arith.constant 0 : i32
      %dma_start3A_90 = tpu.memref_slice %arg6[%run_scoped3A_36, %dma_start3A_89] : memref<3x128xi32, #tpu.memory_space<vmem>> -> memref<1x128xi32, #tpu.memory_space<vmem>>
      %dma_start3A_91 = tpu.memref_squeeze %dma_start3A_90 : memref<1x128xi32, #tpu.memory_space<vmem>> -> memref<128xi32, #tpu.memory_space<vmem>>
      %dma_start3A_92 = arith.constant 0 : i32
      %dma_start3A_93 = tpu.memref_slice %arg2[%run_scoped3A_35, %select_n3A_15, %dma_start3A_92] : memref<2x2500x128xi32, #tpu.memory_space<hbm>> -> memref<1x1x128xi32, #tpu.memory_space<hbm>>
      %dma_start3A_94 = tpu.memref_squeeze %dma_start3A_93 : memref<1x1x128xi32, #tpu.memory_space<hbm>> -> memref<128xi32, #tpu.memory_space<hbm>>
      %dma_start3A_95 = arith.constant 0 : i32
      %dma_start3A_96 = tpu.memref_slice %arg6[%run_scoped3A_36, %dma_start3A_95] : memref<3x128xi32, #tpu.memory_space<vmem>> -> memref<1x128xi32, #tpu.memory_space<vmem>>
      %dma_start3A_97 = tpu.memref_squeeze %dma_start3A_96 : memref<1x128xi32, #tpu.memory_space<vmem>> -> memref<128xi32, #tpu.memory_space<vmem>>
      %dma_start3A_98 = arith.constant 0 : i32
      %dma_start3A_99 = tpu.memref_slice %arg2[%run_scoped3A_35, %select_n3A_15, %dma_start3A_98] : memref<2x2500x128xi32, #tpu.memory_space<hbm>> -> memref<1x1x128xi32, #tpu.memory_space<hbm>>
      %dma_start3A_100 = tpu.memref_squeeze %dma_start3A_99 : memref<1x1x128xi32, #tpu.memory_space<hbm>> -> memref<128xi32, #tpu.memory_space<hbm>>
      tpu.enqueue_dma source(%dma_start3A_100 : memref<128xi32, #tpu.memory_space<hbm>>) target(%dma_start3A_97 : memref<128xi32, #tpu.memory_space<vmem>>) target_semaphore(%run_scoped3A_88 : memref<!tpu.dma_semaphore, #tpu.memory_space<semaphore_mem>>)
      %dma_wait3A_101 = arith.constant 0 : i32
      %dma_wait3A_102 = tpu.memref_slice %arg6[%run_scoped3A_36, %dma_wait3A_101] : memref<3x128xi32, #tpu.memory_space<vmem>> -> memref<1x128xi32, #tpu.memory_space<vmem>>
      %dma_wait3A_103 = tpu.memref_squeeze %dma_wait3A_102 : memref<1x128xi32, #tpu.memory_space<vmem>> -> memref<128xi32, #tpu.memory_space<vmem>>
      %dma_wait3A_104 = arith.constant 0 : i32
      %dma_wait3A_105 = tpu.memref_slice %arg2[%run_scoped3A_35, %select_n3A_15, %dma_wait3A_104] : memref<2x2500x128xi32, #tpu.memory_space<hbm>> -> memref<1x1x128xi32, #tpu.memory_space<hbm>>
      %dma_wait3A_106 = tpu.memref_squeeze %dma_wait3A_105 : memref<1x1x128xi32, #tpu.memory_space<hbm>> -> memref<128xi32, #tpu.memory_space<hbm>>
      %dma_wait3A_107 = arith.constant 0 : i32
      %dma_wait3A_108 = tpu.memref_slice %arg6[%run_scoped3A_36, %dma_wait3A_107] : memref<3x128xi32, #tpu.memory_space<vmem>> -> memref<1x128xi32, #tpu.memory_space<vmem>>
      %dma_wait3A_109 = tpu.memref_squeeze %dma_wait3A_108 : memref<1x128xi32, #tpu.memory_space<vmem>> -> memref<128xi32, #tpu.memory_space<vmem>>
      %dma_wait3A_110 = arith.constant 0 : i32
      %dma_wait3A_111 = tpu.memref_slice %arg2[%run_scoped3A_35, %select_n3A_15, %dma_wait3A_110] : memref<2x2500x128xi32, #tpu.memory_space<hbm>> -> memref<1x1x128xi32, #tpu.memory_space<hbm>>
      %dma_wait3A_112 = tpu.memref_squeeze %dma_wait3A_111 : memref<1x1x128xi32, #tpu.memory_space<hbm>> -> memref<128xi32, #tpu.memory_space<hbm>>
      tpu.wait_dma2 semaphore(%run_scoped3A_88 : memref<!tpu.dma_semaphore, #tpu.memory_space<semaphore_mem>>) src(%dma_wait3A_112 : memref<128xi32, #tpu.memory_space<hbm>>) dst(%dma_wait3A_109 : memref<128xi32, #tpu.memory_space<vmem>>)
      tpu.yield
    }) : () -> ()
    %gt3A = arith.constant 1 : i32
    %gt3A_37 = arith.cmpi sgt, %select_n3A_5, %gt3A : i32
    %convert_element_type3A = arith.extui %gt3A_37 : i1 to i32
    %cond3A = arith.constant 0 : i32
    %cond3A_38 = arith.cmpi ne, %convert_element_type3A, %cond3A : i32
    scf.if %cond3A_38 {
      %add3A_88 = arith.constant 1 : i32
      %add3A_89 = arith.addi %select_n3A_15, %add3A_88 : i32
      %dma_start3A_90 = arith.constant 0 : i32
      %dma_start3A_91 = arith.constant 1 : i32
      %dma_start3A_92 = arith.constant 0 : i32
      %dma_start3A_93 = tpu.memref_slice %arg5[%dma_start3A_91, %dma_start3A_92] : memref<2x128xi32, #tpu.memory_space<vmem>> -> memref<1x128xi32, #tpu.memory_space<vmem>>
      %dma_start3A_94 = tpu.memref_squeeze %dma_start3A_93 : memref<1x128xi32, #tpu.memory_space<vmem>> -> memref<128xi32, #tpu.memory_space<vmem>>
      %dma_start3A_95 = arith.constant 0 : i32
      %dma_start3A_96 = tpu.memref_slice %arg2[%dma_start3A_90, %add3A_89, %dma_start3A_95] : memref<2x2500x128xi32, #tpu.memory_space<hbm>> -> memref<1x1x128xi32, #tpu.memory_space<hbm>>
      %dma_start3A_97 = tpu.memref_squeeze %dma_start3A_96 : memref<1x1x128xi32, #tpu.memory_space<hbm>> -> memref<128xi32, #tpu.memory_space<hbm>>
      %dma_start3A_98 = arith.constant 0 : i32
      %dma_start3A_99 = tpu.memref_slice %arg5[%dma_start3A_91, %dma_start3A_98] : memref<2x128xi32, #tpu.memory_space<vmem>> -> memref<1x128xi32, #tpu.memory_space<vmem>>
      %dma_start3A_100 = tpu.memref_squeeze %dma_start3A_99 : memref<1x128xi32, #tpu.memory_space<vmem>> -> memref<128xi32, #tpu.memory_space<vmem>>
      %dma_start3A_101 = arith.constant 0 : i32
      %dma_start3A_102 = tpu.memref_slice %arg2[%dma_start3A_90, %add3A_89, %dma_start3A_101] : memref<2x2500x128xi32, #tpu.memory_space<hbm>> -> memref<1x1x128xi32, #tpu.memory_space<hbm>>
      %dma_start3A_103 = tpu.memref_squeeze %dma_start3A_102 : memref<1x1x128xi32, #tpu.memory_space<hbm>> -> memref<128xi32, #tpu.memory_space<hbm>>
      tpu.enqueue_dma source(%dma_start3A_103 : memref<128xi32, #tpu.memory_space<hbm>>) target(%dma_start3A_100 : memref<128xi32, #tpu.memory_space<vmem>>) target_semaphore(%arg10 : memref<!tpu.dma_semaphore, #tpu.memory_space<semaphore_mem>>)
      %add3A_104 = arith.constant 1 : i32
      %add3A_105 = arith.addi %select_n3A_15, %add3A_104 : i32
      %dma_start3A_106 = arith.constant 1 : i32
      %dma_start3A_107 = arith.constant 1 : i32
      %dma_start3A_108 = arith.constant 0 : i32
      %dma_start3A_109 = tpu.memref_slice %arg6[%dma_start3A_107, %dma_start3A_108] : memref<3x128xi32, #tpu.memory_space<vmem>> -> memref<1x128xi32, #tpu.memory_space<vmem>>
      %dma_start3A_110 = tpu.memref_squeeze %dma_start3A_109 : memref<1x128xi32, #tpu.memory_space<vmem>> -> memref<128xi32, #tpu.memory_space<vmem>>
      %dma_start3A_111 = arith.constant 0 : i32
      %dma_start3A_112 = tpu.memref_slice %arg2[%dma_start3A_106, %add3A_105, %dma_start3A_111] : memref<2x2500x128xi32, #tpu.memory_space<hbm>> -> memref<1x1x128xi32, #tpu.memory_space<hbm>>
      %dma_start3A_113 = tpu.memref_squeeze %dma_start3A_112 : memref<1x1x128xi32, #tpu.memory_space<hbm>> -> memref<128xi32, #tpu.memory_space<hbm>>
      %dma_start3A_114 = arith.constant 0 : i32
      %dma_start3A_115 = tpu.memref_slice %arg6[%dma_start3A_107, %dma_start3A_114] : memref<3x128xi32, #tpu.memory_space<vmem>> -> memref<1x128xi32, #tpu.memory_space<vmem>>
      %dma_start3A_116 = tpu.memref_squeeze %dma_start3A_115 : memref<1x128xi32, #tpu.memory_space<vmem>> -> memref<128xi32, #tpu.memory_space<vmem>>
      %dma_start3A_117 = arith.constant 0 : i32
      %dma_start3A_118 = tpu.memref_slice %arg2[%dma_start3A_106, %add3A_105, %dma_start3A_117] : memref<2x2500x128xi32, #tpu.memory_space<hbm>> -> memref<1x1x128xi32, #tpu.memory_space<hbm>>
      %dma_start3A_119 = tpu.memref_squeeze %dma_start3A_118 : memref<1x1x128xi32, #tpu.memory_space<hbm>> -> memref<128xi32, #tpu.memory_space<hbm>>
      tpu.enqueue_dma source(%dma_start3A_119 : memref<128xi32, #tpu.memory_space<hbm>>) target(%dma_start3A_116 : memref<128xi32, #tpu.memory_space<vmem>>) target_semaphore(%arg10 : memref<!tpu.dma_semaphore, #tpu.memory_space<semaphore_mem>>)
    } else {
    }
    %dma_start3A = arith.constant 0 : i32
    %dma_start3A_39 = arith.constant 0 : i32
    %dma_start3A_40 = arith.constant 0 : i32
    %dma_start3A_41 = arith.constant 0 : i32
    %dma_start3A_42 = tpu.memref_slice %arg7[%dma_start3A_39, %dma_start3A_40, %dma_start3A_41] : memref<2x128x128xf32, #tpu.memory_space<vmem>> -> memref<1x128x128xf32, #tpu.memory_space<vmem>>
    %dma_start3A_43 = tpu.memref_squeeze %dma_start3A_42 : memref<1x128x128xf32, #tpu.memory_space<vmem>> -> memref<128x128xf32, #tpu.memory_space<vmem>>
    %dma_start3A_44 = arith.constant 0 : i32
    %dma_start3A_45 = tpu.memref_slice %arg5[%dma_start3A, %dma_start3A_44] : memref<2x128xi32, #tpu.memory_space<vmem>> -> memref<1x128xi32, #tpu.memory_space<vmem>>
    %dma_start3A_46 = tpu.memref_squeeze %dma_start3A_45 : memref<1x128xi32, #tpu.memory_space<vmem>> -> memref<128xi32, #tpu.memory_space<vmem>>
    %dma_start3A_47 = arith.constant 0 : i32
    %dma_start3A_48 = arith.constant 0 : i32
    %dma_start3A_49 = tpu.memref_slice %arg3[%dma_start3A_47, %dma_start3A_48] : memref<10240x128xf32, #tpu.memory_space<hbm>> -> memref<10240x128xf32, #tpu.memory_space<hbm>>
    tpu.enqueue_indirect_dma source(%dma_start3A_49 : memref<10240x128xf32, #tpu.memory_space<hbm>>) target(%dma_start3A_43 : memref<128x128xf32, #tpu.memory_space<vmem>>) offsets(%dma_start3A_46 : memref<128xi32, #tpu.memory_space<vmem>>) semaphore(%arg9 : memref<!tpu.dma_semaphore, #tpu.memory_space<semaphore_mem>>)
    %while3A = arith.constant 0 : i32
    %while3A_50 = arith.constant 0 : i32
    %while3A_51 = arith.subi %select_n3A_5, %while3A : i32
    %while3A_52 = arith.addi %while3A, %while3A_51 : i32
    %while3A_53 = arith.constant 1 : i32
    %while3A_54 = arith.divsi %while3A_51, %while3A_53 : i32
    %while3A_55 = arith.muli %while3A_54, %while3A_53 : i32
    %while3A_56 = arith.addi %while3A, %while3A_55 : i32
    %while3A_57 = arith.constant 1 : i32
    %while3A_58 = scf.for %while3A_88 = %while3A to %while3A_56 step %while3A_57 iter_args(%while3A_89 = %while3A_50) -> (i32)  : i32 {
      %rem3A_90 = arith.constant 2 : i32
      %rem3A_91 = arith.remsi %while3A_88, %rem3A_90 : i32
      %add3A_92 = arith.constant 1 : i32
      %add3A_93 = arith.addi %while3A_88, %add3A_92 : i32
      %rem3A_94 = arith.constant 2 : i32
      %rem3A_95 = arith.remsi %add3A_93, %rem3A_94 : i32
      %rem3A_96 = arith.constant 3 : i32
      %rem3A_97 = arith.remsi %while3A_88, %rem3A_96 : i32
      %add3A_98 = arith.constant 1 : i32
      %add3A_99 = arith.addi %while3A_88, %add3A_98 : i32
      %rem3A_100 = arith.constant 3 : i32
      %rem3A_101 = arith.remsi %add3A_99, %rem3A_100 : i32
      %ge3A = arith.constant 1 : i32
      %ge3A_102 = arith.cmpi sge, %while3A_88, %ge3A : i32
      %convert_element_type3A_103 = arith.extui %ge3A_102 : i1 to i32
      %cond3A_104 = arith.constant 0 : i32
      %cond3A_105 = arith.cmpi ne, %convert_element_type3A_103, %cond3A_104 : i32
      scf.if %cond3A_105 {
        %add3A_139 = arith.constant 2 : i32
        %add3A_140 = arith.addi %while3A_88, %add3A_139 : i32
        %rem3A_141 = arith.constant 3 : i32
        %rem3A_142 = arith.remsi %add3A_140, %rem3A_141 : i32
        %dma_wait3A_143 = arith.constant 0 : i32
        %dma_wait3A_144 = arith.constant 0 : i32
        %dma_wait3A_145 = tpu.memref_slice %arg7[%rem3A_95, %dma_wait3A_143, %dma_wait3A_144] : memref<2x128x128xf32, #tpu.memory_space<vmem>> -> memref<1x128x128xf32, #tpu.memory_space<vmem>>
        %dma_wait3A_146 = tpu.memref_squeeze %dma_wait3A_145 : memref<1x128x128xf32, #tpu.memory_space<vmem>> -> memref<128x128xf32, #tpu.memory_space<vmem>>
        %dma_wait3A_147 = arith.constant 0 : i32
        %dma_wait3A_148 = tpu.memref_slice %arg6[%rem3A_142, %dma_wait3A_147] : memref<3x128xi32, #tpu.memory_space<vmem>> -> memref<1x128xi32, #tpu.memory_space<vmem>>
        %dma_wait3A_149 = tpu.memref_squeeze %dma_wait3A_148 : memref<1x128xi32, #tpu.memory_space<vmem>> -> memref<128xi32, #tpu.memory_space<vmem>>
        %dma_wait3A_150 = arith.constant 0 : i32
        %dma_wait3A_151 = arith.constant 0 : i32
        %dma_wait3A_152 = tpu.memref_slice %arg8[%dma_wait3A_150, %dma_wait3A_151] : memref<10240x128xf32, #tpu.memory_space<vmem_shared>> -> memref<10240x128xf32, #tpu.memory_space<vmem_shared>>
        tpu.wait_indirect_dma semaphore(%arg11 : memref<!tpu.dma_semaphore, #tpu.memory_space<semaphore_mem>>) src(%dma_wait3A_146 : memref<128x128xf32, #tpu.memory_space<vmem>>) dst(%dma_wait3A_152 : memref<10240x128xf32, #tpu.memory_space<vmem_shared>>)
      } else {
      }
      %add3A_106 = arith.constant 1 : i32
      %add3A_107 = arith.addi %while3A_88, %add3A_106 : i32
      %lt3A_108 = arith.cmpi slt, %add3A_107, %select_n3A_5 : i32
      %convert_element_type3A_109 = arith.extui %lt3A_108 : i1 to i32
      %cond3A_110 = arith.constant 0 : i32
      %cond3A_111 = arith.cmpi ne, %convert_element_type3A_109, %cond3A_110 : i32
      scf.if %cond3A_111 {
        %add3A_139 = arith.addi %select_n3A_15, %while3A_88 : i32
        %add3A_140 = arith.constant 1 : i32
        %add3A_141 = arith.addi %add3A_139, %add3A_140 : i32
        %dma_wait3A_142 = arith.constant 0 : i32
        %dma_wait3A_143 = arith.constant 0 : i32
        %dma_wait3A_144 = tpu.memref_slice %arg5[%rem3A_95, %dma_wait3A_143] : memref<2x128xi32, #tpu.memory_space<vmem>> -> memref<1x128xi32, #tpu.memory_space<vmem>>
        %dma_wait3A_145 = tpu.memref_squeeze %dma_wait3A_144 : memref<1x128xi32, #tpu.memory_space<vmem>> -> memref<128xi32, #tpu.memory_space<vmem>>
        %dma_wait3A_146 = arith.constant 0 : i32
        %dma_wait3A_147 = tpu.memref_slice %arg2[%dma_wait3A_142, %add3A_141, %dma_wait3A_146] : memref<2x2500x128xi32, #tpu.memory_space<hbm>> -> memref<1x1x128xi32, #tpu.memory_space<hbm>>
        %dma_wait3A_148 = tpu.memref_squeeze %dma_wait3A_147 : memref<1x1x128xi32, #tpu.memory_space<hbm>> -> memref<128xi32, #tpu.memory_space<hbm>>
        %dma_wait3A_149 = arith.constant 0 : i32
        %dma_wait3A_150 = tpu.memref_slice %arg5[%rem3A_95, %dma_wait3A_149] : memref<2x128xi32, #tpu.memory_space<vmem>> -> memref<1x128xi32, #tpu.memory_space<vmem>>
        %dma_wait3A_151 = tpu.memref_squeeze %dma_wait3A_150 : memref<1x128xi32, #tpu.memory_space<vmem>> -> memref<128xi32, #tpu.memory_space<vmem>>
        %dma_wait3A_152 = arith.constant 0 : i32
        %dma_wait3A_153 = tpu.memref_slice %arg2[%dma_wait3A_142, %add3A_141, %dma_wait3A_152] : memref<2x2500x128xi32, #tpu.memory_space<hbm>> -> memref<1x1x128xi32, #tpu.memory_space<hbm>>
        %dma_wait3A_154 = tpu.memref_squeeze %dma_wait3A_153 : memref<1x1x128xi32, #tpu.memory_space<hbm>> -> memref<128xi32, #tpu.memory_space<hbm>>
        tpu.wait_dma2 semaphore(%arg10 : memref<!tpu.dma_semaphore, #tpu.memory_space<semaphore_mem>>) src(%dma_wait3A_154 : memref<128xi32, #tpu.memory_space<hbm>>) dst(%dma_wait3A_151 : memref<128xi32, #tpu.memory_space<vmem>>)
        %add3A_155 = arith.addi %select_n3A_15, %while3A_88 : i32
        %add3A_156 = arith.constant 1 : i32
        %add3A_157 = arith.addi %add3A_155, %add3A_156 : i32
        %dma_wait3A_158 = arith.constant 1 : i32
        %dma_wait3A_159 = arith.constant 0 : i32
        %dma_wait3A_160 = tpu.memref_slice %arg6[%rem3A_101, %dma_wait3A_159] : memref<3x128xi32, #tpu.memory_space<vmem>> -> memref<1x128xi32, #tpu.memory_space<vmem>>
        %dma_wait3A_161 = tpu.memref_squeeze %dma_wait3A_160 : memref<1x128xi32, #tpu.memory_space<vmem>> -> memref<128xi32, #tpu.memory_space<vmem>>
        %dma_wait3A_162 = arith.constant 0 : i32
        %dma_wait3A_163 = tpu.memref_slice %arg2[%dma_wait3A_158, %add3A_157, %dma_wait3A_162] : memref<2x2500x128xi32, #tpu.memory_space<hbm>> -> memref<1x1x128xi32, #tpu.memory_space<hbm>>
        %dma_wait3A_164 = tpu.memref_squeeze %dma_wait3A_163 : memref<1x1x128xi32, #tpu.memory_space<hbm>> -> memref<128xi32, #tpu.memory_space<hbm>>
        %dma_wait3A_165 = arith.constant 0 : i32
        %dma_wait3A_166 = tpu.memref_slice %arg6[%rem3A_101, %dma_wait3A_165] : memref<3x128xi32, #tpu.memory_space<vmem>> -> memref<1x128xi32, #tpu.memory_space<vmem>>
        %dma_wait3A_167 = tpu.memref_squeeze %dma_wait3A_166 : memref<1x128xi32, #tpu.memory_space<vmem>> -> memref<128xi32, #tpu.memory_space<vmem>>
        %dma_wait3A_168 = arith.constant 0 : i32
        %dma_wait3A_169 = tpu.memref_slice %arg2[%dma_wait3A_158, %add3A_157, %dma_wait3A_168] : memref<2x2500x128xi32, #tpu.memory_space<hbm>> -> memref<1x1x128xi32, #tpu.memory_space<hbm>>
        %dma_wait3A_170 = tpu.memref_squeeze %dma_wait3A_169 : memref<1x1x128xi32, #tpu.memory_space<hbm>> -> memref<128xi32, #tpu.memory_space<hbm>>
        tpu.wait_dma2 semaphore(%arg10 : memref<!tpu.dma_semaphore, #tpu.memory_space<semaphore_mem>>) src(%dma_wait3A_170 : memref<128xi32, #tpu.memory_space<hbm>>) dst(%dma_wait3A_167 : memref<128xi32, #tpu.memory_space<vmem>>)
        %dma_start3A_171 = arith.constant 0 : i32
        %dma_start3A_172 = arith.constant 0 : i32
        %dma_start3A_173 = tpu.memref_slice %arg7[%rem3A_95, %dma_start3A_171, %dma_start3A_172] : memref<2x128x128xf32, #tpu.memory_space<vmem>> -> memref<1x128x128xf32, #tpu.memory_space<vmem>>
        %dma_start3A_174 = tpu.memref_squeeze %dma_start3A_173 : memref<1x128x128xf32, #tpu.memory_space<vmem>> -> memref<128x128xf32, #tpu.memory_space<vmem>>
        %dma_start3A_175 = arith.constant 0 : i32
        %dma_start3A_176 = tpu.memref_slice %arg5[%rem3A_95, %dma_start3A_175] : memref<2x128xi32, #tpu.memory_space<vmem>> -> memref<1x128xi32, #tpu.memory_space<vmem>>
        %dma_start3A_177 = tpu.memref_squeeze %dma_start3A_176 : memref<1x128xi32, #tpu.memory_space<vmem>> -> memref<128xi32, #tpu.memory_space<vmem>>
        %dma_start3A_178 = arith.constant 0 : i32
        %dma_start3A_179 = arith.constant 0 : i32
        %dma_start3A_180 = tpu.memref_slice %arg3[%dma_start3A_178, %dma_start3A_179] : memref<10240x128xf32, #tpu.memory_space<hbm>> -> memref<10240x128xf32, #tpu.memory_space<hbm>>
        tpu.enqueue_indirect_dma source(%dma_start3A_180 : memref<10240x128xf32, #tpu.memory_space<hbm>>) target(%dma_start3A_174 : memref<128x128xf32, #tpu.memory_space<vmem>>) offsets(%dma_start3A_177 : memref<128xi32, #tpu.memory_space<vmem>>) semaphore(%arg9 : memref<!tpu.dma_semaphore, #tpu.memory_space<semaphore_mem>>)
      } else {
      }
      %dma_wait3A_112 = arith.constant 0 : i32
      %dma_wait3A_113 = arith.constant 0 : i32
      %dma_wait3A_114 = tpu.memref_slice %arg7[%rem3A_91, %dma_wait3A_112, %dma_wait3A_113] : memref<2x128x128xf32, #tpu.memory_space<vmem>> -> memref<1x128x128xf32, #tpu.memory_space<vmem>>
      %dma_wait3A_115 = tpu.memref_squeeze %dma_wait3A_114 : memref<1x128x128xf32, #tpu.memory_space<vmem>> -> memref<128x128xf32, #tpu.memory_space<vmem>>
      %dma_wait3A_116 = arith.constant 0 : i32
      %dma_wait3A_117 = tpu.memref_slice %arg5[%rem3A_91, %dma_wait3A_116] : memref<2x128xi32, #tpu.memory_space<vmem>> -> memref<1x128xi32, #tpu.memory_space<vmem>>
      %dma_wait3A_118 = tpu.memref_squeeze %dma_wait3A_117 : memref<1x128xi32, #tpu.memory_space<vmem>> -> memref<128xi32, #tpu.memory_space<vmem>>
      %dma_wait3A_119 = arith.constant 0 : i32
      %dma_wait3A_120 = arith.constant 0 : i32
      %dma_wait3A_121 = tpu.memref_slice %arg3[%dma_wait3A_119, %dma_wait3A_120] : memref<10240x128xf32, #tpu.memory_space<hbm>> -> memref<10240x128xf32, #tpu.memory_space<hbm>>
      tpu.wait_indirect_dma semaphore(%arg9 : memref<!tpu.dma_semaphore, #tpu.memory_space<semaphore_mem>>) src(%dma_wait3A_121 : memref<10240x128xf32, #tpu.memory_space<hbm>>) dst(%dma_wait3A_115 : memref<128x128xf32, #tpu.memory_space<vmem>>)
      %dma_start3A_122 = arith.constant 0 : i32
      %dma_start3A_123 = arith.constant 0 : i32
      %dma_start3A_124 = tpu.memref_slice %arg7[%rem3A_91, %dma_start3A_122, %dma_start3A_123] : memref<2x128x128xf32, #tpu.memory_space<vmem>> -> memref<1x128x128xf32, #tpu.memory_space<vmem>>
      %dma_start3A_125 = tpu.memref_squeeze %dma_start3A_124 : memref<1x128x128xf32, #tpu.memory_space<vmem>> -> memref<128x128xf32, #tpu.memory_space<vmem>>
      %dma_start3A_126 = arith.constant 0 : i32
      %dma_start3A_127 = tpu.memref_slice %arg6[%rem3A_97, %dma_start3A_126] : memref<3x128xi32, #tpu.memory_space<vmem>> -> memref<1x128xi32, #tpu.memory_space<vmem>>
      %dma_start3A_128 = tpu.memref_squeeze %dma_start3A_127 : memref<1x128xi32, #tpu.memory_space<vmem>> -> memref<128xi32, #tpu.memory_space<vmem>>
      %dma_start3A_129 = arith.constant 0 : i32
      %dma_start3A_130 = arith.constant 0 : i32
      %dma_start3A_131 = tpu.memref_slice %arg8[%dma_start3A_129, %dma_start3A_130] : memref<10240x128xf32, #tpu.memory_space<vmem_shared>> -> memref<10240x128xf32, #tpu.memory_space<vmem_shared>>
      tpu.enqueue_indirect_dma source(%dma_start3A_125 : memref<128x128xf32, #tpu.memory_space<vmem>>) target(%dma_start3A_131 : memref<10240x128xf32, #tpu.memory_space<vmem_shared>>) offsets(%dma_start3A_128 : memref<128xi32, #tpu.memory_space<vmem>>) semaphore(%arg11 : memref<!tpu.dma_semaphore, #tpu.memory_space<semaphore_mem>>) {add = true}
      %add3A_132 = arith.constant 2 : i32
      %add3A_133 = arith.addi %while3A_88, %add3A_132 : i32
      %lt3A_134 = arith.cmpi slt, %add3A_133, %select_n3A_5 : i32
      %convert_element_type3A_135 = arith.extui %lt3A_134 : i1 to i32
      %cond3A_136 = arith.constant 0 : i32
      %cond3A_137 = arith.cmpi ne, %convert_element_type3A_135, %cond3A_136 : i32
      scf.if %cond3A_137 {
        %add3A_139 = arith.addi %select_n3A_15, %while3A_88 : i32
        %add3A_140 = arith.constant 2 : i32
        %add3A_141 = arith.addi %add3A_139, %add3A_140 : i32
        %dma_start3A_142 = arith.constant 0 : i32
        %dma_start3A_143 = arith.constant 0 : i32
        %dma_start3A_144 = tpu.memref_slice %arg5[%rem3A_91, %dma_start3A_143] : memref<2x128xi32, #tpu.memory_space<vmem>> -> memref<1x128xi32, #tpu.memory_space<vmem>>
        %dma_start3A_145 = tpu.memref_squeeze %dma_start3A_144 : memref<1x128xi32, #tpu.memory_space<vmem>> -> memref<128xi32, #tpu.memory_space<vmem>>
        %dma_start3A_146 = arith.constant 0 : i32
        %dma_start3A_147 = tpu.memref_slice %arg2[%dma_start3A_142, %add3A_141, %dma_start3A_146] : memref<2x2500x128xi32, #tpu.memory_space<hbm>> -> memref<1x1x128xi32, #tpu.memory_space<hbm>>
        %dma_start3A_148 = tpu.memref_squeeze %dma_start3A_147 : memref<1x1x128xi32, #tpu.memory_space<hbm>> -> memref<128xi32, #tpu.memory_space<hbm>>
        %dma_start3A_149 = arith.constant 0 : i32
        %dma_start3A_150 = tpu.memref_slice %arg5[%rem3A_91, %dma_start3A_149] : memref<2x128xi32, #tpu.memory_space<vmem>> -> memref<1x128xi32, #tpu.memory_space<vmem>>
        %dma_start3A_151 = tpu.memref_squeeze %dma_start3A_150 : memref<1x128xi32, #tpu.memory_space<vmem>> -> memref<128xi32, #tpu.memory_space<vmem>>
        %dma_start3A_152 = arith.constant 0 : i32
        %dma_start3A_153 = tpu.memref_slice %arg2[%dma_start3A_142, %add3A_141, %dma_start3A_152] : memref<2x2500x128xi32, #tpu.memory_space<hbm>> -> memref<1x1x128xi32, #tpu.memory_space<hbm>>
        %dma_start3A_154 = tpu.memref_squeeze %dma_start3A_153 : memref<1x1x128xi32, #tpu.memory_space<hbm>> -> memref<128xi32, #tpu.memory_space<hbm>>
        tpu.enqueue_dma source(%dma_start3A_154 : memref<128xi32, #tpu.memory_space<hbm>>) target(%dma_start3A_151 : memref<128xi32, #tpu.memory_space<vmem>>) target_semaphore(%arg10 : memref<!tpu.dma_semaphore, #tpu.memory_space<semaphore_mem>>)
        %add3A_155 = arith.addi %select_n3A_15, %while3A_88 : i32
        %add3A_156 = arith.constant 2 : i32
        %add3A_157 = arith.addi %add3A_155, %add3A_156 : i32
        %add3A_158 = arith.constant 2 : i32
        %add3A_159 = arith.addi %while3A_88, %add3A_158 : i32
        %rem3A_160 = arith.constant 3 : i32
        %rem3A_161 = arith.remsi %add3A_159, %rem3A_160 : i32
        %dma_start3A_162 = arith.constant 1 : i32
        %dma_start3A_163 = arith.constant 0 : i32
        %dma_start3A_164 = tpu.memref_slice %arg6[%rem3A_161, %dma_start3A_163] : memref<3x128xi32, #tpu.memory_space<vmem>> -> memref<1x128xi32, #tpu.memory_space<vmem>>
        %dma_start3A_165 = tpu.memref_squeeze %dma_start3A_164 : memref<1x128xi32, #tpu.memory_space<vmem>> -> memref<128xi32, #tpu.memory_space<vmem>>
        %dma_start3A_166 = arith.constant 0 : i32
        %dma_start3A_167 = tpu.memref_slice %arg2[%dma_start3A_162, %add3A_157, %dma_start3A_166] : memref<2x2500x128xi32, #tpu.memory_space<hbm>> -> memref<1x1x128xi32, #tpu.memory_space<hbm>>
        %dma_start3A_168 = tpu.memref_squeeze %dma_start3A_167 : memref<1x1x128xi32, #tpu.memory_space<hbm>> -> memref<128xi32, #tpu.memory_space<hbm>>
        %dma_start3A_169 = arith.constant 0 : i32
        %dma_start3A_170 = tpu.memref_slice %arg6[%rem3A_161, %dma_start3A_169] : memref<3x128xi32, #tpu.memory_space<vmem>> -> memref<1x128xi32, #tpu.memory_space<vmem>>
        %dma_start3A_171 = tpu.memref_squeeze %dma_start3A_170 : memref<1x128xi32, #tpu.memory_space<vmem>> -> memref<128xi32, #tpu.memory_space<vmem>>
        %dma_start3A_172 = arith.constant 0 : i32
        %dma_start3A_173 = tpu.memref_slice %arg2[%dma_start3A_162, %add3A_157, %dma_start3A_172] : memref<2x2500x128xi32, #tpu.memory_space<hbm>> -> memref<1x1x128xi32, #tpu.memory_space<hbm>>
        %dma_start3A_174 = tpu.memref_squeeze %dma_start3A_173 : memref<1x1x128xi32, #tpu.memory_space<hbm>> -> memref<128xi32, #tpu.memory_space<hbm>>
        tpu.enqueue_dma source(%dma_start3A_174 : memref<128xi32, #tpu.memory_space<hbm>>) target(%dma_start3A_171 : memref<128xi32, #tpu.memory_space<vmem>>) target_semaphore(%arg10 : memref<!tpu.dma_semaphore, #tpu.memory_space<semaphore_mem>>)
      } else {
      }
      %while3A_138 = arith.constant 0 : i32
      scf.yield %while3A_138 : i32
    }
    %while3A_59 = arith.constant 1 : i32
    %while3A_60 = scf.for %while3A_88 = %while3A_56 to %while3A_52 step %while3A_59 iter_args(%while3A_89 = %while3A_58) -> (i32)  : i32 {
      %rem3A_90 = arith.constant 2 : i32
      %rem3A_91 = arith.remsi %while3A_88, %rem3A_90 : i32
      %add3A_92 = arith.constant 1 : i32
      %add3A_93 = arith.addi %while3A_88, %add3A_92 : i32
      %rem3A_94 = arith.constant 2 : i32
      %rem3A_95 = arith.remsi %add3A_93, %rem3A_94 : i32
      %rem3A_96 = arith.constant 3 : i32
      %rem3A_97 = arith.remsi %while3A_88, %rem3A_96 : i32
      %add3A_98 = arith.constant 1 : i32
      %add3A_99 = arith.addi %while3A_88, %add3A_98 : i32
      %rem3A_100 = arith.constant 3 : i32
      %rem3A_101 = arith.remsi %add3A_99, %rem3A_100 : i32
      %ge3A = arith.constant 1 : i32
      %ge3A_102 = arith.cmpi sge, %while3A_88, %ge3A : i32
      %convert_element_type3A_103 = arith.extui %ge3A_102 : i1 to i32
      %cond3A_104 = arith.constant 0 : i32
      %cond3A_105 = arith.cmpi ne, %convert_element_type3A_103, %cond3A_104 : i32
      scf.if %cond3A_105 {
        %add3A_139 = arith.constant 2 : i32
        %add3A_140 = arith.addi %while3A_88, %add3A_139 : i32
        %rem3A_141 = arith.constant 3 : i32
        %rem3A_142 = arith.remsi %add3A_140, %rem3A_141 : i32
        %dma_wait3A_143 = arith.constant 0 : i32
        %dma_wait3A_144 = arith.constant 0 : i32
        %dma_wait3A_145 = tpu.memref_slice %arg7[%rem3A_95, %dma_wait3A_143, %dma_wait3A_144] : memref<2x128x128xf32, #tpu.memory_space<vmem>> -> memref<1x128x128xf32, #tpu.memory_space<vmem>>
        %dma_wait3A_146 = tpu.memref_squeeze %dma_wait3A_145 : memref<1x128x128xf32, #tpu.memory_space<vmem>> -> memref<128x128xf32, #tpu.memory_space<vmem>>
        %dma_wait3A_147 = arith.constant 0 : i32
        %dma_wait3A_148 = tpu.memref_slice %arg6[%rem3A_142, %dma_wait3A_147] : memref<3x128xi32, #tpu.memory_space<vmem>> -> memref<1x128xi32, #tpu.memory_space<vmem>>
        %dma_wait3A_149 = tpu.memref_squeeze %dma_wait3A_148 : memref<1x128xi32, #tpu.memory_space<vmem>> -> memref<128xi32, #tpu.memory_space<vmem>>
        %dma_wait3A_150 = arith.constant 0 : i32
        %dma_wait3A_151 = arith.constant 0 : i32
        %dma_wait3A_152 = tpu.memref_slice %arg8[%dma_wait3A_150, %dma_wait3A_151] : memref<10240x128xf32, #tpu.memory_space<vmem_shared>> -> memref<10240x128xf32, #tpu.memory_space<vmem_shared>>
        tpu.wait_indirect_dma semaphore(%arg11 : memref<!tpu.dma_semaphore, #tpu.memory_space<semaphore_mem>>) src(%dma_wait3A_146 : memref<128x128xf32, #tpu.memory_space<vmem>>) dst(%dma_wait3A_152 : memref<10240x128xf32, #tpu.memory_space<vmem_shared>>)
      } else {
      }
      %add3A_106 = arith.constant 1 : i32
      %add3A_107 = arith.addi %while3A_88, %add3A_106 : i32
      %lt3A_108 = arith.cmpi slt, %add3A_107, %select_n3A_5 : i32
      %convert_element_type3A_109 = arith.extui %lt3A_108 : i1 to i32
      %cond3A_110 = arith.constant 0 : i32
      %cond3A_111 = arith.cmpi ne, %convert_element_type3A_109, %cond3A_110 : i32
      scf.if %cond3A_111 {
        %add3A_139 = arith.addi %select_n3A_15, %while3A_88 : i32
        %add3A_140 = arith.constant 1 : i32
        %add3A_141 = arith.addi %add3A_139, %add3A_140 : i32
        %dma_wait3A_142 = arith.constant 0 : i32
        %dma_wait3A_143 = arith.constant 0 : i32
        %dma_wait3A_144 = tpu.memref_slice %arg5[%rem3A_95, %dma_wait3A_143] : memref<2x128xi32, #tpu.memory_space<vmem>> -> memref<1x128xi32, #tpu.memory_space<vmem>>
        %dma_wait3A_145 = tpu.memref_squeeze %dma_wait3A_144 : memref<1x128xi32, #tpu.memory_space<vmem>> -> memref<128xi32, #tpu.memory_space<vmem>>
        %dma_wait3A_146 = arith.constant 0 : i32
        %dma_wait3A_147 = tpu.memref_slice %arg2[%dma_wait3A_142, %add3A_141, %dma_wait3A_146] : memref<2x2500x128xi32, #tpu.memory_space<hbm>> -> memref<1x1x128xi32, #tpu.memory_space<hbm>>
        %dma_wait3A_148 = tpu.memref_squeeze %dma_wait3A_147 : memref<1x1x128xi32, #tpu.memory_space<hbm>> -> memref<128xi32, #tpu.memory_space<hbm>>
        %dma_wait3A_149 = arith.constant 0 : i32
        %dma_wait3A_150 = tpu.memref_slice %arg5[%rem3A_95, %dma_wait3A_149] : memref<2x128xi32, #tpu.memory_space<vmem>> -> memref<1x128xi32, #tpu.memory_space<vmem>>
        %dma_wait3A_151 = tpu.memref_squeeze %dma_wait3A_150 : memref<1x128xi32, #tpu.memory_space<vmem>> -> memref<128xi32, #tpu.memory_space<vmem>>
        %dma_wait3A_152 = arith.constant 0 : i32
        %dma_wait3A_153 = tpu.memref_slice %arg2[%dma_wait3A_142, %add3A_141, %dma_wait3A_152] : memref<2x2500x128xi32, #tpu.memory_space<hbm>> -> memref<1x1x128xi32, #tpu.memory_space<hbm>>
        %dma_wait3A_154 = tpu.memref_squeeze %dma_wait3A_153 : memref<1x1x128xi32, #tpu.memory_space<hbm>> -> memref<128xi32, #tpu.memory_space<hbm>>
        tpu.wait_dma2 semaphore(%arg10 : memref<!tpu.dma_semaphore, #tpu.memory_space<semaphore_mem>>) src(%dma_wait3A_154 : memref<128xi32, #tpu.memory_space<hbm>>) dst(%dma_wait3A_151 : memref<128xi32, #tpu.memory_space<vmem>>)
        %add3A_155 = arith.addi %select_n3A_15, %while3A_88 : i32
        %add3A_156 = arith.constant 1 : i32
        %add3A_157 = arith.addi %add3A_155, %add3A_156 : i32
        %dma_wait3A_158 = arith.constant 1 : i32
        %dma_wait3A_159 = arith.constant 0 : i32
        %dma_wait3A_160 = tpu.memref_slice %arg6[%rem3A_101, %dma_wait3A_159] : memref<3x128xi32, #tpu.memory_space<vmem>> -> memref<1x128xi32, #tpu.memory_space<vmem>>
        %dma_wait3A_161 = tpu.memref_squeeze %dma_wait3A_160 : memref<1x128xi32, #tpu.memory_space<vmem>> -> memref<128xi32, #tpu.memory_space<vmem>>
        %dma_wait3A_162 = arith.constant 0 : i32
        %dma_wait3A_163 = tpu.memref_slice %arg2[%dma_wait3A_158, %add3A_157, %dma_wait3A_162] : memref<2x2500x128xi32, #tpu.memory_space<hbm>> -> memref<1x1x128xi32, #tpu.memory_space<hbm>>
        %dma_wait3A_164 = tpu.memref_squeeze %dma_wait3A_163 : memref<1x1x128xi32, #tpu.memory_space<hbm>> -> memref<128xi32, #tpu.memory_space<hbm>>
        %dma_wait3A_165 = arith.constant 0 : i32
        %dma_wait3A_166 = tpu.memref_slice %arg6[%rem3A_101, %dma_wait3A_165] : memref<3x128xi32, #tpu.memory_space<vmem>> -> memref<1x128xi32, #tpu.memory_space<vmem>>
        %dma_wait3A_167 = tpu.memref_squeeze %dma_wait3A_166 : memref<1x128xi32, #tpu.memory_space<vmem>> -> memref<128xi32, #tpu.memory_space<vmem>>
        %dma_wait3A_168 = arith.constant 0 : i32
        %dma_wait3A_169 = tpu.memref_slice %arg2[%dma_wait3A_158, %add3A_157, %dma_wait3A_168] : memref<2x2500x128xi32, #tpu.memory_space<hbm>> -> memref<1x1x128xi32, #tpu.memory_space<hbm>>
        %dma_wait3A_170 = tpu.memref_squeeze %dma_wait3A_169 : memref<1x1x128xi32, #tpu.memory_space<hbm>> -> memref<128xi32, #tpu.memory_space<hbm>>
        tpu.wait_dma2 semaphore(%arg10 : memref<!tpu.dma_semaphore, #tpu.memory_space<semaphore_mem>>) src(%dma_wait3A_170 : memref<128xi32, #tpu.memory_space<hbm>>) dst(%dma_wait3A_167 : memref<128xi32, #tpu.memory_space<vmem>>)
        %dma_start3A_171 = arith.constant 0 : i32
        %dma_start3A_172 = arith.constant 0 : i32
        %dma_start3A_173 = tpu.memref_slice %arg7[%rem3A_95, %dma_start3A_171, %dma_start3A_172] : memref<2x128x128xf32, #tpu.memory_space<vmem>> -> memref<1x128x128xf32, #tpu.memory_space<vmem>>
        %dma_start3A_174 = tpu.memref_squeeze %dma_start3A_173 : memref<1x128x128xf32, #tpu.memory_space<vmem>> -> memref<128x128xf32, #tpu.memory_space<vmem>>
        %dma_start3A_175 = arith.constant 0 : i32
        %dma_start3A_176 = tpu.memref_slice %arg5[%rem3A_95, %dma_start3A_175] : memref<2x128xi32, #tpu.memory_space<vmem>> -> memref<1x128xi32, #tpu.memory_space<vmem>>
        %dma_start3A_177 = tpu.memref_squeeze %dma_start3A_176 : memref<1x128xi32, #tpu.memory_space<vmem>> -> memref<128xi32, #tpu.memory_space<vmem>>
        %dma_start3A_178 = arith.constant 0 : i32
        %dma_start3A_179 = arith.constant 0 : i32
        %dma_start3A_180 = tpu.memref_slice %arg3[%dma_start3A_178, %dma_start3A_179] : memref<10240x128xf32, #tpu.memory_space<hbm>> -> memref<10240x128xf32, #tpu.memory_space<hbm>>
        tpu.enqueue_indirect_dma source(%dma_start3A_180 : memref<10240x128xf32, #tpu.memory_space<hbm>>) target(%dma_start3A_174 : memref<128x128xf32, #tpu.memory_space<vmem>>) offsets(%dma_start3A_177 : memref<128xi32, #tpu.memory_space<vmem>>) semaphore(%arg9 : memref<!tpu.dma_semaphore, #tpu.memory_space<semaphore_mem>>)
      } else {
      }
      %dma_wait3A_112 = arith.constant 0 : i32
      %dma_wait3A_113 = arith.constant 0 : i32
      %dma_wait3A_114 = tpu.memref_slice %arg7[%rem3A_91, %dma_wait3A_112, %dma_wait3A_113] : memref<2x128x128xf32, #tpu.memory_space<vmem>> -> memref<1x128x128xf32, #tpu.memory_space<vmem>>
      %dma_wait3A_115 = tpu.memref_squeeze %dma_wait3A_114 : memref<1x128x128xf32, #tpu.memory_space<vmem>> -> memref<128x128xf32, #tpu.memory_space<vmem>>
      %dma_wait3A_116 = arith.constant 0 : i32
      %dma_wait3A_117 = tpu.memref_slice %arg5[%rem3A_91, %dma_wait3A_116] : memref<2x128xi32, #tpu.memory_space<vmem>> -> memref<1x128xi32, #tpu.memory_space<vmem>>
      %dma_wait3A_118 = tpu.memref_squeeze %dma_wait3A_117 : memref<1x128xi32, #tpu.memory_space<vmem>> -> memref<128xi32, #tpu.memory_space<vmem>>
      %dma_wait3A_119 = arith.constant 0 : i32
      %dma_wait3A_120 = arith.constant 0 : i32
      %dma_wait3A_121 = tpu.memref_slice %arg3[%dma_wait3A_119, %dma_wait3A_120] : memref<10240x128xf32, #tpu.memory_space<hbm>> -> memref<10240x128xf32, #tpu.memory_space<hbm>>
      tpu.wait_indirect_dma semaphore(%arg9 : memref<!tpu.dma_semaphore, #tpu.memory_space<semaphore_mem>>) src(%dma_wait3A_121 : memref<10240x128xf32, #tpu.memory_space<hbm>>) dst(%dma_wait3A_115 : memref<128x128xf32, #tpu.memory_space<vmem>>)
      %dma_start3A_122 = arith.constant 0 : i32
      %dma_start3A_123 = arith.constant 0 : i32
      %dma_start3A_124 = tpu.memref_slice %arg7[%rem3A_91, %dma_start3A_122, %dma_start3A_123] : memref<2x128x128xf32, #tpu.memory_space<vmem>> -> memref<1x128x128xf32, #tpu.memory_space<vmem>>
      %dma_start3A_125 = tpu.memref_squeeze %dma_start3A_124 : memref<1x128x128xf32, #tpu.memory_space<vmem>> -> memref<128x128xf32, #tpu.memory_space<vmem>>
      %dma_start3A_126 = arith.constant 0 : i32
      %dma_start3A_127 = tpu.memref_slice %arg6[%rem3A_97, %dma_start3A_126] : memref<3x128xi32, #tpu.memory_space<vmem>> -> memref<1x128xi32, #tpu.memory_space<vmem>>
      %dma_start3A_128 = tpu.memref_squeeze %dma_start3A_127 : memref<1x128xi32, #tpu.memory_space<vmem>> -> memref<128xi32, #tpu.memory_space<vmem>>
      %dma_start3A_129 = arith.constant 0 : i32
      %dma_start3A_130 = arith.constant 0 : i32
      %dma_start3A_131 = tpu.memref_slice %arg8[%dma_start3A_129, %dma_start3A_130] : memref<10240x128xf32, #tpu.memory_space<vmem_shared>> -> memref<10240x128xf32, #tpu.memory_space<vmem_shared>>
      tpu.enqueue_indirect_dma source(%dma_start3A_125 : memref<128x128xf32, #tpu.memory_space<vmem>>) target(%dma_start3A_131 : memref<10240x128xf32, #tpu.memory_space<vmem_shared>>) offsets(%dma_start3A_128 : memref<128xi32, #tpu.memory_space<vmem>>) semaphore(%arg11 : memref<!tpu.dma_semaphore, #tpu.memory_space<semaphore_mem>>) {add = true}
      %add3A_132 = arith.constant 2 : i32
      %add3A_133 = arith.addi %while3A_88, %add3A_132 : i32
      %lt3A_134 = arith.cmpi slt, %add3A_133, %select_n3A_5 : i32
      %convert_element_type3A_135 = arith.extui %lt3A_134 : i1 to i32
      %cond3A_136 = arith.constant 0 : i32
      %cond3A_137 = arith.cmpi ne, %convert_element_type3A_135, %cond3A_136 : i32
      scf.if %cond3A_137 {
        %add3A_139 = arith.addi %select_n3A_15, %while3A_88 : i32
        %add3A_140 = arith.constant 2 : i32
        %add3A_141 = arith.addi %add3A_139, %add3A_140 : i32
        %dma_start3A_142 = arith.constant 0 : i32
        %dma_start3A_143 = arith.constant 0 : i32
        %dma_start3A_144 = tpu.memref_slice %arg5[%rem3A_91, %dma_start3A_143] : memref<2x128xi32, #tpu.memory_space<vmem>> -> memref<1x128xi32, #tpu.memory_space<vmem>>
        %dma_start3A_145 = tpu.memref_squeeze %dma_start3A_144 : memref<1x128xi32, #tpu.memory_space<vmem>> -> memref<128xi32, #tpu.memory_space<vmem>>
        %dma_start3A_146 = arith.constant 0 : i32
        %dma_start3A_147 = tpu.memref_slice %arg2[%dma_start3A_142, %add3A_141, %dma_start3A_146] : memref<2x2500x128xi32, #tpu.memory_space<hbm>> -> memref<1x1x128xi32, #tpu.memory_space<hbm>>
        %dma_start3A_148 = tpu.memref_squeeze %dma_start3A_147 : memref<1x1x128xi32, #tpu.memory_space<hbm>> -> memref<128xi32, #tpu.memory_space<hbm>>
        %dma_start3A_149 = arith.constant 0 : i32
        %dma_start3A_150 = tpu.memref_slice %arg5[%rem3A_91, %dma_start3A_149] : memref<2x128xi32, #tpu.memory_space<vmem>> -> memref<1x128xi32, #tpu.memory_space<vmem>>
        %dma_start3A_151 = tpu.memref_squeeze %dma_start3A_150 : memref<1x128xi32, #tpu.memory_space<vmem>> -> memref<128xi32, #tpu.memory_space<vmem>>
        %dma_start3A_152 = arith.constant 0 : i32
        %dma_start3A_153 = tpu.memref_slice %arg2[%dma_start3A_142, %add3A_141, %dma_start3A_152] : memref<2x2500x128xi32, #tpu.memory_space<hbm>> -> memref<1x1x128xi32, #tpu.memory_space<hbm>>
        %dma_start3A_154 = tpu.memref_squeeze %dma_start3A_153 : memref<1x1x128xi32, #tpu.memory_space<hbm>> -> memref<128xi32, #tpu.memory_space<hbm>>
        tpu.enqueue_dma source(%dma_start3A_154 : memref<128xi32, #tpu.memory_space<hbm>>) target(%dma_start3A_151 : memref<128xi32, #tpu.memory_space<vmem>>) target_semaphore(%arg10 : memref<!tpu.dma_semaphore, #tpu.memory_space<semaphore_mem>>)
        %add3A_155 = arith.addi %select_n3A_15, %while3A_88 : i32
        %add3A_156 = arith.constant 2 : i32
        %add3A_157 = arith.addi %add3A_155, %add3A_156 : i32
        %add3A_158 = arith.constant 2 : i32
        %add3A_159 = arith.addi %while3A_88, %add3A_158 : i32
        %rem3A_160 = arith.constant 3 : i32
        %rem3A_161 = arith.remsi %add3A_159, %rem3A_160 : i32
        %dma_start3A_162 = arith.constant 1 : i32
        %dma_start3A_163 = arith.constant 0 : i32
        %dma_start3A_164 = tpu.memref_slice %arg6[%rem3A_161, %dma_start3A_163] : memref<3x128xi32, #tpu.memory_space<vmem>> -> memref<1x128xi32, #tpu.memory_space<vmem>>
        %dma_start3A_165 = tpu.memref_squeeze %dma_start3A_164 : memref<1x128xi32, #tpu.memory_space<vmem>> -> memref<128xi32, #tpu.memory_space<vmem>>
        %dma_start3A_166 = arith.constant 0 : i32
        %dma_start3A_167 = tpu.memref_slice %arg2[%dma_start3A_162, %add3A_157, %dma_start3A_166] : memref<2x2500x128xi32, #tpu.memory_space<hbm>> -> memref<1x1x128xi32, #tpu.memory_space<hbm>>
        %dma_start3A_168 = tpu.memref_squeeze %dma_start3A_167 : memref<1x1x128xi32, #tpu.memory_space<hbm>> -> memref<128xi32, #tpu.memory_space<hbm>>
        %dma_start3A_169 = arith.constant 0 : i32
        %dma_start3A_170 = tpu.memref_slice %arg6[%rem3A_161, %dma_start3A_169] : memref<3x128xi32, #tpu.memory_space<vmem>> -> memref<1x128xi32, #tpu.memory_space<vmem>>
        %dma_start3A_171 = tpu.memref_squeeze %dma_start3A_170 : memref<1x128xi32, #tpu.memory_space<vmem>> -> memref<128xi32, #tpu.memory_space<vmem>>
        %dma_start3A_172 = arith.constant 0 : i32
        %dma_start3A_173 = tpu.memref_slice %arg2[%dma_start3A_162, %add3A_157, %dma_start3A_172] : memref<2x2500x128xi32, #tpu.memory_space<hbm>> -> memref<1x1x128xi32, #tpu.memory_space<hbm>>
        %dma_start3A_174 = tpu.memref_squeeze %dma_start3A_173 : memref<1x1x128xi32, #tpu.memory_space<hbm>> -> memref<128xi32, #tpu.memory_space<hbm>>
        tpu.enqueue_dma source(%dma_start3A_174 : memref<128xi32, #tpu.memory_space<hbm>>) target(%dma_start3A_171 : memref<128xi32, #tpu.memory_space<vmem>>) target_semaphore(%arg10 : memref<!tpu.dma_semaphore, #tpu.memory_space<semaphore_mem>>)
      } else {
      }
      %while3A_138 = arith.constant 0 : i32
      scf.yield %while3A_138 : i32
    }
    %sub3A = arith.constant 1 : i32
    %sub3A_61 = arith.subi %select_n3A_5, %sub3A : i32
    %rem3A = arith.constant 2 : i32
    %rem3A_62 = arith.remsi %sub3A_61, %rem3A : i32
    %sub3A_63 = arith.constant 1 : i32
    %sub3A_64 = arith.subi %select_n3A_5, %sub3A_63 : i32
    %rem3A_65 = arith.constant 3 : i32
    %rem3A_66 = arith.remsi %sub3A_64, %rem3A_65 : i32
    %dma_wait3A = arith.constant 0 : i32
    %dma_wait3A_67 = arith.constant 0 : i32
    %dma_wait3A_68 = tpu.memref_slice %arg7[%rem3A_62, %dma_wait3A, %dma_wait3A_67] : memref<2x128x128xf32, #tpu.memory_space<vmem>> -> memref<1x128x128xf32, #tpu.memory_space<vmem>>
    %dma_wait3A_69 = tpu.memref_squeeze %dma_wait3A_68 : memref<1x128x128xf32, #tpu.memory_space<vmem>> -> memref<128x128xf32, #tpu.memory_space<vmem>>
    %dma_wait3A_70 = arith.constant 0 : i32
    %dma_wait3A_71 = tpu.memref_slice %arg6[%rem3A_66, %dma_wait3A_70] : memref<3x128xi32, #tpu.memory_space<vmem>> -> memref<1x128xi32, #tpu.memory_space<vmem>>
    %dma_wait3A_72 = tpu.memref_squeeze %dma_wait3A_71 : memref<1x128xi32, #tpu.memory_space<vmem>> -> memref<128xi32, #tpu.memory_space<vmem>>
    %dma_wait3A_73 = arith.constant 0 : i32
    %dma_wait3A_74 = arith.constant 0 : i32
    %dma_wait3A_75 = tpu.memref_slice %arg8[%dma_wait3A_73, %dma_wait3A_74] : memref<10240x128xf32, #tpu.memory_space<vmem_shared>> -> memref<10240x128xf32, #tpu.memory_space<vmem_shared>>
    tpu.wait_indirect_dma semaphore(%arg11 : memref<!tpu.dma_semaphore, #tpu.memory_space<semaphore_mem>>) src(%dma_wait3A_69 : memref<128x128xf32, #tpu.memory_space<vmem>>) dst(%dma_wait3A_75 : memref<10240x128xf32, #tpu.memory_space<vmem_shared>>)
    %barrier3A_76 = arith.constant 0 : index
    tpu.barrier barrier_id(%barrier3A_76)
    %scan3A_77 = arith.constant 0 : i32
    %scan3A_78 = arith.constant 0 : i32
    %scan3A_79 = arith.constant 5 : i32
    %scan3A_80 = arith.addi %scan3A_78, %scan3A_79 : i32
    %scan3A_81 = arith.constant 1 : i32
    %scan3A_82 = scf.for %scan3A_88 = %scan3A_78 to %scan3A_80 step %scan3A_81 iter_args(%scan3A_89 = %scan3A_77) -> (i32)  : i32 {
      %mul3A_90 = arith.constant 640 : i32
      %mul3A_91 = arith.muli %arg1, %mul3A_90 : i32
      %mul3A_92 = arith.constant 128 : i32
      %mul3A_93 = arith.muli %scan3A_88, %mul3A_92 : i32
      %add3A_94 = arith.addi %mul3A_91, %mul3A_93 : i32
      "tpu.region"() ({
        %run_scoped3A_96 = tpu.sem_alloc : memref<!tpu.dma_semaphore, #tpu.memory_space<semaphore_mem>>
        %dma_start3A_97 = arith.constant 0 : i32
        %dma_start3A_98 = tpu.memref_slice %arg4[%arg0, %add3A_94, %dma_start3A_97] : memref<2x10240x128xf32, #tpu.memory_space<hbm>> -> memref<1x128x128xf32, #tpu.memory_space<hbm>>
        %dma_start3A_99 = tpu.memref_squeeze %dma_start3A_98 : memref<1x128x128xf32, #tpu.memory_space<hbm>> -> memref<128x128xf32, #tpu.memory_space<hbm>>
        %dma_start3A_100 = arith.constant 0 : i32
        %dma_start3A_101 = tpu.memref_slice %arg8[%add3A_94, %dma_start3A_100] : memref<10240x128xf32, #tpu.memory_space<vmem_shared>> -> memref<128x128xf32, #tpu.memory_space<vmem_shared>>
        tpu.enqueue_dma source(%dma_start3A_101 : memref<128x128xf32, #tpu.memory_space<vmem_shared>>) target(%dma_start3A_99 : memref<128x128xf32, #tpu.memory_space<hbm>>) target_semaphore(%run_scoped3A_96 : memref<!tpu.dma_semaphore, #tpu.memory_space<semaphore_mem>>)
        %dma_wait3A_102 = arith.constant 0 : i32
        %dma_wait3A_103 = tpu.memref_slice %arg4[%arg0, %add3A_94, %dma_wait3A_102] : memref<2x10240x128xf32, #tpu.memory_space<hbm>> -> memref<1x128x128xf32, #tpu.memory_space<hbm>>
        %dma_wait3A_104 = tpu.memref_squeeze %dma_wait3A_103 : memref<1x128x128xf32, #tpu.memory_space<hbm>> -> memref<128x128xf32, #tpu.memory_space<hbm>>
        %dma_wait3A_105 = arith.constant 0 : i32
        %dma_wait3A_106 = tpu.memref_slice %arg8[%add3A_94, %dma_wait3A_105] : memref<10240x128xf32, #tpu.memory_space<vmem_shared>> -> memref<128x128xf32, #tpu.memory_space<vmem_shared>>
        tpu.wait_dma2 semaphore(%run_scoped3A_96 : memref<!tpu.dma_semaphore, #tpu.memory_space<semaphore_mem>>) src(%dma_wait3A_106 : memref<128x128xf32, #tpu.memory_space<vmem_shared>>) dst(%dma_wait3A_104 : memref<128x128xf32, #tpu.memory_space<hbm>>)
        tpu.yield
      }) : () -> ()
      %scan3A_95 = arith.constant 0 : i32
      scf.yield %scan3A_95 : i32
    }
    %scan3A_83 = arith.constant 5 : i32
    %mul3A_84 = arith.constant 640 : i32
    %mul3A_85 = arith.muli %arg1, %mul3A_84 : i32
    %add3A_86 = arith.constant 640 : i32
    %add3A_87 = arith.addi %mul3A_85, %add3A_86 : i32
    "tpu.region"() ({
      %run_scoped3A_88 = tpu.sem_alloc : memref<!tpu.dma_semaphore, #tpu.memory_space<semaphore_mem>>
      %dma_start3A_89 = arith.constant 0 : i32
      %dma_start3A_90 = tpu.memref_slice %arg4[%arg0, %add3A_87, %dma_start3A_89] : memref<2x10240x128xf32, #tpu.memory_space<hbm>> -> memref<1x0x128xf32, #tpu.memory_space<hbm>>
      %dma_start3A_91 = tpu.memref_squeeze %dma_start3A_90 : memref<1x0x128xf32, #tpu.memory_space<hbm>> -> memref<0x128xf32, #tpu.memory_space<hbm>>
      %dma_start3A_92 = arith.constant 0 : i32
      %dma_start3A_93 = tpu.memref_slice %arg8[%add3A_87, %dma_start3A_92] : memref<10240x128xf32, #tpu.memory_space<vmem_shared>> -> memref<0x128xf32, #tpu.memory_space<vmem_shared>>
      tpu.enqueue_dma source(%dma_start3A_93 : memref<0x128xf32, #tpu.memory_space<vmem_shared>>) target(%dma_start3A_91 : memref<0x128xf32, #tpu.memory_space<hbm>>) target_semaphore(%run_scoped3A_88 : memref<!tpu.dma_semaphore, #tpu.memory_space<semaphore_mem>>)
      %dma_wait3A_94 = arith.constant 0 : i32
      %dma_wait3A_95 = tpu.memref_slice %arg4[%arg0, %add3A_87, %dma_wait3A_94] : memref<2x10240x128xf32, #tpu.memory_space<hbm>> -> memref<1x0x128xf32, #tpu.memory_space<hbm>>
      %dma_wait3A_96 = tpu.memref_squeeze %dma_wait3A_95 : memref<1x0x128xf32, #tpu.memory_space<hbm>> -> memref<0x128xf32, #tpu.memory_space<hbm>>
      %dma_wait3A_97 = arith.constant 0 : i32
      %dma_wait3A_98 = tpu.memref_slice %arg8[%add3A_87, %dma_wait3A_97] : memref<10240x128xf32, #tpu.memory_space<vmem_shared>> -> memref<0x128xf32, #tpu.memory_space<vmem_shared>>
      tpu.wait_dma2 semaphore(%run_scoped3A_88 : memref<!tpu.dma_semaphore, #tpu.memory_space<semaphore_mem>>) src(%dma_wait3A_98 : memref<0x128xf32, #tpu.memory_space<vmem_shared>>) dst(%dma_wait3A_96 : memref<0x128xf32, #tpu.memory_space<hbm>>)
      tpu.yield
    }) : () -> ()
    return
  }
}

module attributes {stable_mosaic.version = 14 : i64} {
  func.func @_post_body(%arg0: i32, %arg1: memref<2x1000x128xf32, #tpu.memory_space<vmem>>, %arg2: memref<1000x128xf32, #tpu.memory_space<vmem>>, %arg3: memref<1000x2xf32, #tpu.memory_space<vmem>>, %arg4: memref<1x128xf32, #tpu.memory_space<vmem>>, %arg5: memref<1000x128xf32, #tpu.memory_space<vmem>>) attributes {dimension_semantics = [#tpu.dimension_semantics<arbitrary>], iteration_bounds = array<i64: 10>, scalar_prefetch = 0 : i64, scratch_operands = 0 : i64, tpu.core_type = #tpu.core_type<tc>, window_params = [{transform_indices = @transform_0, window_bounds = array<i64: 2, 1000, 128>}, {transform_indices = @transform_1, window_bounds = array<i64: 1000, 128>}, {transform_indices = @transform_2, window_bounds = array<i64: 1000, 2>}, {pipeline_mode = #tpu.pipeline_mode<synchronous>, transform_indices = @transform_3, window_bounds = array<i64: 1, 128>}, {transform_indices = @transform_4, window_bounds = array<i64: 1000, 128>}]} {
    %get3A = arith.constant 0 : index
    %get3A_0 = arith.constant 0 : index
    %get3A_1 = arith.constant 0 : index
    %get3A_2 = vector.load %arg1[%get3A, %get3A_0, %get3A_1] : memref<2x1000x128xf32, #tpu.memory_space<vmem>>, vector<1x1000x128xf32>
    %get3A_3 = vector.shape_cast %get3A_2 : vector<1x1000x128xf32> to vector<1000x128xf32>
    %get3A_4 = arith.constant 1 : index
    %get3A_5 = arith.constant 0 : index
    %get3A_6 = arith.constant 0 : index
    %get3A_7 = vector.load %arg1[%get3A_4, %get3A_5, %get3A_6] : memref<2x1000x128xf32, #tpu.memory_space<vmem>>, vector<1x1000x128xf32>
    %get3A_8 = vector.shape_cast %get3A_7 : vector<1x1000x128xf32> to vector<1000x128xf32>
    %add3A = arith.addf %get3A_3, %get3A_8 : vector<1000x128xf32>
    %get3A_9 = arith.constant 0 : index
    %get3A_10 = arith.constant 0 : index
    %get3A_11 = vector.load %arg2[%get3A_9, %get3A_10] : memref<1000x128xf32, #tpu.memory_space<vmem>>, vector<1000x128xf32>
    %add3A_12 = arith.addf %add3A, %get3A_11 : vector<1000x128xf32>
    %get3A_13 = arith.constant 0 : index
    %get3A_14 = arith.constant 0 : index
    %get3A_15 = vector.load %arg3[%get3A_13, %get3A_14] : memref<1000x2xf32, #tpu.memory_space<vmem>>, vector<1000x1xf32>
    %get3A_16 = arith.constant 0 : index
    %get3A_17 = arith.constant 1 : index
    %get3A_18 = vector.load %arg3[%get3A_16, %get3A_17] : memref<1000x2xf32, #tpu.memory_space<vmem>>, vector<1000x1xf32>
    %add3A_19 = arith.addf %get3A_15, %get3A_18 : vector<1000x1xf32>
    %add3A_20 = arith.constant 1.000000e+00 : f32
    %add3A_21 = vector.broadcast %add3A_20 : f32 to vector<1000x1xf32>
    %add3A_22 = arith.addf %add3A_19, %add3A_21 : vector<1000x1xf32>
    %rsqrt3A = math.rsqrt %add3A_22 : vector<1000x1xf32>
    %mul3A = vector.broadcast %rsqrt3A : vector<1000x1xf32> to vector<1000x128xf32>
    %mul3A_23 = arith.mulf %add3A_12, %mul3A : vector<1000x128xf32>
    %get3A_24 = arith.constant 0 : index
    %get3A_25 = arith.constant 0 : index
    %get3A_26 = vector.load %arg4[%get3A_24, %get3A_25] : memref<1x128xf32, #tpu.memory_space<vmem>>, vector<1x128xf32>
    %add3A_27 = vector.broadcast %get3A_26 : vector<1x128xf32> to vector<1000x128xf32>
    %add3A_28 = arith.addf %mul3A_23, %add3A_27 : vector<1000x128xf32>
    %max3A = arith.constant 0.000000e+00 : f32
    %max3A_29 = vector.broadcast %max3A : f32 to vector<1000x128xf32>
    %max3A_30 = arith.maximumf %add3A_28, %max3A_29 : vector<1000x128xf32>
    %swap3A = arith.constant 0 : index
    %swap3A_31 = arith.constant 0 : index
    %swap3A_32 = vector.load %arg5[%swap3A, %swap3A_31] : memref<1000x128xf32, #tpu.memory_space<vmem>>, vector<1000x128xf32>
    tpu.vector_store %arg5[%swap3A, %swap3A_31], %max3A_30 {strides = array<i32>} : memref<1000x128xf32, #tpu.memory_space<vmem>>, vector<1000x128xf32>,
    return
  }
  func.func @transform_0(%arg0: i32) -> (i32, i32, i32) {
    %c0_i32 = arith.constant 0 : i32
    %c0_i32_0 = arith.constant 0 : i32
    %c0_i32_1 = arith.constant 0 : i32
    return %c0_i32, %arg0, %c0_i32_0 : i32, i32, i32
  }
  func.func @transform_1(%arg0: i32) -> (i32, i32) {
    %c0_i32 = arith.constant 0 : i32
    %c0_i32_0 = arith.constant 0 : i32
    return %arg0, %c0_i32 : i32, i32
  }
  func.func @transform_2(%arg0: i32) -> (i32, i32) {
    %c0_i32 = arith.constant 0 : i32
    %c0_i32_0 = arith.constant 0 : i32
    return %arg0, %c0_i32 : i32, i32
  }
  func.func @transform_3(%arg0: i32) -> (i32, i32) {
    %c0_i32 = arith.constant 0 : i32
    %c0_i32_0 = arith.constant 0 : i32
    %c0_i32_1 = arith.constant 0 : i32
    return %c0_i32, %c0_i32_0 : i32, i32
  }
  func.func @transform_4(%arg0: i32) -> (i32, i32) {
    %c0_i32 = arith.constant 0 : i32
    %c0_i32_0 = arith.constant 0 : i32
    return %arg0, %c0_i32 : i32, i32
  }
}

module attributes {stable_mosaic.version = 14 : i64} {
  func.func @_pre_body(%arg0: i32, %arg1: memref<1000x128xf32, #tpu.memory_space<vmem>>, %arg2: memref<128x128xf32, #tpu.memory_space<vmem>>, %arg3: memref<1000x2xf32, #tpu.memory_space<vmem>>, %arg4: memref<1000x128xf32, #tpu.memory_space<vmem>>) attributes {dimension_semantics = [#tpu.dimension_semantics<arbitrary>], iteration_bounds = array<i64: 10>, scalar_prefetch = 0 : i64, scratch_operands = 0 : i64, tpu.core_type = #tpu.core_type<tc>, window_params = [{transform_indices = @transform_0, window_bounds = array<i64: 1000, 128>}, {pipeline_mode = #tpu.pipeline_mode<synchronous>, transform_indices = @transform_1, window_bounds = array<i64: 128, 128>}, {transform_indices = @transform_2, window_bounds = array<i64: 1000, 2>}, {transform_indices = @transform_3, window_bounds = array<i64: 1000, 128>}]} {
    %get3A = arith.constant 0 : index
    %get3A_0 = arith.constant 0 : index
    %get3A_1 = vector.load %arg1[%get3A, %get3A_0] : memref<1000x128xf32, #tpu.memory_space<vmem>>, vector<1000x128xf32>
    %get3A_2 = arith.constant 0 : index
    %get3A_3 = arith.constant 0 : index
    %get3A_4 = vector.load %arg2[%get3A_2, %get3A_3] : memref<128x128xf32, #tpu.memory_space<vmem>>, vector<128x128xf32>
    %dot_general3A = arith.constant dense<0.000000e+00> : vector<1000x128xf32>
    %dot_general3A_5 = tpu.matmul %get3A_1, %get3A_4, %dot_general3A {dimension_numbers = #tpu.dot_dimension_numbers<[1], [1], [0], [0], [0, 0, 1, 0], [], []>, transpose_lhs_hint = false} : vector<1000x128xf32>, vector<128x128xf32>, vector<1000x128xf32> -> vector<1000x128xf32>
    %get3A_6 = arith.constant 0 : index
    %get3A_7 = arith.constant 0 : index
    %get3A_8 = vector.load %arg3[%get3A_6, %get3A_7] : memref<1000x2xf32, #tpu.memory_space<vmem>>, vector<1000x1xf32>
    %get3A_9 = arith.constant 0 : index
    %get3A_10 = arith.constant 1 : index
    %get3A_11 = vector.load %arg3[%get3A_9, %get3A_10] : memref<1000x2xf32, #tpu.memory_space<vmem>>, vector<1000x1xf32>
    %add3A = arith.addf %get3A_8, %get3A_11 : vector<1000x1xf32>
    %add3A_12 = arith.constant 1.000000e+00 : f32
    %add3A_13 = vector.broadcast %add3A_12 : f32 to vector<1000x1xf32>
    %add3A_14 = arith.addf %add3A, %add3A_13 : vector<1000x1xf32>
    %rsqrt3A = math.rsqrt %add3A_14 : vector<1000x1xf32>
    %mul3A = vector.broadcast %rsqrt3A : vector<1000x1xf32> to vector<1000x128xf32>
    %mul3A_15 = arith.mulf %dot_general3A_5, %mul3A : vector<1000x128xf32>
    %swap3A = arith.constant 0 : index
    %swap3A_16 = arith.constant 0 : index
    %swap3A_17 = vector.load %arg4[%swap3A, %swap3A_16] : memref<1000x128xf32, #tpu.memory_space<vmem>>, vector<1000x128xf32>
    tpu.vector_store %arg4[%swap3A, %swap3A_16], %mul3A_15 {strides = array<i32>} : memref<1000x128xf32, #tpu.memory_space<vmem>>, vector<1000x128xf32>,
    return
  }
  func.func @transform_0(%arg0: i32) -> (i32, i32) {
    %c0_i32 = arith.constant 0 : i32
    %c0_i32_0 = arith.constant 0 : i32
    return %arg0, %c0_i32 : i32, i32
  }
  func.func @transform_1(%arg0: i32) -> (i32, i32) {
    %c0_i32 = arith.constant 0 : i32
    %c0_i32_0 = arith.constant 0 : i32
    %c0_i32_1 = arith.constant 0 : i32
    return %c0_i32, %c0_i32_0 : i32, i32
  }
  func.func @transform_2(%arg0: i32) -> (i32, i32) {
    %c0_i32 = arith.constant 0 : i32
    %c0_i32_0 = arith.constant 0 : i32
    return %arg0, %c0_i32 : i32, i32
  }
  func.func @transform_3(%arg0: i32) -> (i32, i32) {
    %c0_i32 = arith.constant 0 : i32
    %c0_i32_0 = arith.constant 0 : i32
    return %arg0, %c0_i32 : i32, i32
  }
}

</mosaic_0001>

<sc_bundles>
// kernel: kernel.6.cloned.1.call-start
scs
__scs_entry_jumppad:
0x0: {  	(pc) =	sbr.rel $0x88, $3  }
0x1: {  	(tag) =	ssettag $0x0;
	lr =	simm.s32 $0x1  }
0x2: {  	[smem:$0x3F9D] =	sst lr;
	_ =	strace $0xD0000000  }
0x3: {  	_ = 	snop  }
0x4: {  	_ = 	snop  }
0x5: {  	_ = 	snop  }
0x6: {  	_ = 	snop  }
0x7: {  	_ = 	snop  }
__scs_overlays_trampoline_lowered:
0x8: {  	[smem:$0x3FAC] =	sst s0  }
0x9: {  	[smem:$0x3FAD] =	sst s1  }
0xa: {  	[smem:$0x3FAE] =	sst s2  }
0xb: {  	[smem:$0x3FAF] =	sst s3  }
0xc: {  	[smem:$0x3FB0] =	sst s4  }
0xd: {  	[smem:$0x3FB1] =	sst s5  }
0xe: {  	[smem:$0x3FB2] =	sst s6  }
0xf: {  	[smem:$0x3FB3] =	sst s7  }
0x10: {  	[smem:$0x3FB4] =	sst s8  }
0x11: {  	[smem:$0x3FB5] =	sst s9;
	s0 =	simm.s32 @!p0 $0x0  }
0x12: {  	s1 =	sld [smem:$0x3F9B];
	s0 =	simm.s32 @p0 $0x1  }
0x13: {  	[smem:$0x3FB6] =	sst s0;
	s0 =	simm.s32 @!p1 $0x0  }
0x14: {  	s2 =	sld [smem:$0x3F9A];
	s0 =	simm.s32 @p1 $0x1  }
0x15: {  	[smem:$0x3FB7] =	sst s0;
	s0 =	simm.s32 @!p2 $0x0  }
0x16: {  	s3 =	sld [smem:$0x3FDB];
	s0 =	simm.s32 @p2 $0x1  }
0x17: {  	s4 =	simm.s32 $0x1BF5;
	[smem:$0x3FB9] =	sst s0  }
0x18: {  	s0 =	sld [smem:$0x3F9C];
	_ =	swait.ge [sflag:s4], $0x0  }
0x19: {  	s7 =	sld [smem:$0x3F9D]  }
0x1a: {  	s8 =	sadd.s32 $0xFFFFE003, lr  }
0x1b: {  	s9 =	sadd.s32 $0xFFFFFEF7, lr;
	s5 =	simm.s32 $0xFFFFFFFF;
	p2 =	slt.u32 s8, $0xFFFFF086  }
0x1c: {  	p1 =	slt.u32 s9, $0xF7A;
	s5 =	simm.s32 @!p2 $0x0  }
0x1d: {  	s5 =	simm.s32 @p1 $0x1;
	p0 =	seq.s32 s7, s2  }
0x1e: {  	s7 =	smul.u32 @!p0 $0xF7A, s2;
	p2 =	seq.s32 @!p0 s5, $0x0  }
0x1f: {  	s9 =	smul.u32 $0xF7A, s1;
	s8 =	simm.s32 @!p0 $0x1BF5;
	p2 =	por !p2, p0  }
0x20: {  	[sflag:s8] =	ssyncset.s32 @!p0 $0xFFFFF086;
	s6 =	sadd.s32 @!p0 s3, s7;
	s7 =	simm.s32 @!p0 $0x108  }
0x21: {  	s3 =	sadd.s32 s3, s9;
	s6 =	sadd.s32 @!p0 $0x88, s6;
	s7 =	simm.s32 @p2 $0x1082  }
0x22: {  	[simem:s7], [sflag:s8] =	dma.local @!p0 [hbm:s6], $0xF7A  }
0x23: {  	s9 =	sor.u32 $0xD0000000, s2;
	s6 =	simm.s32 $0x108;
	_ =	swait.ge @!p0 [sflag:s8], $0x0  }
0x24: {  	s3 =	sadd.s32 $0x88, s3;
	s6 =	simm.s32 @!p1 $0x1082;
	[sflag:s4] =	ssyncset.s32 $0xFFFFF086  }
0x25: {  	[simem:s6], [sflag:s4] =	dma.local [hbm:s3], $0xF7A  }
0x26: {  	[smem:$0x3F9D] =	sst s1;
	(tag) =	ssettag s2;
	_ =	strace s9  }
0x27: {  	s1 =	sld [smem:$0x3FAD]  }
0x28: {  	s2 =	sld [smem:$0x3FAE]  }
0x29: {  	s4 =	sld [smem:$0x3FB0]  }
0x2a: {  	p0 =	seq.s32 s5, $0x0;
	s5 =	sld [smem:$0x3FB1]  }
0x2b: {  	s6 =	sld [smem:$0x3FB2]  }
0x2c: {  	s7 =	sld [smem:$0x3FB3]  }
0x2d: {  	s3 =	simm.s32 $0x108;
	s8 =	sld [smem:$0x3FB4]  }
0x2e: {  	s3 =	simm.s32 @!p0 $0x1082;
	s9 =	sld [smem:$0x3FB5]  }
0x2f: {  	lr =	sadd.s32 s0, s3;
	s0 =	sld [smem:$0x3FAC]  }
0x30: {  	s3 =	sld [smem:$0x3FAF]  }
0x31: {  	[smem:$0x3FB8] =	sst s10  }
0x32: {  	s10 =	sld [smem:$0x3FB6];
	_ =	sdelay $0x3  }
0x33: {  	p0 =	seq.s32 s10, $0x1;
	s10 =	sld [smem:$0x3FB8];
	_ =	sdelay $0x3  }
0x34: {  	[smem:$0x3FB8] =	sst s10  }
0x35: {  	s10 =	sld [smem:$0x3FB7];
	_ =	sdelay $0x3  }
0x36: {  	p1 =	seq.s32 s10, $0x1;
	s10 =	sld [smem:$0x3FB8];
	_ =	sdelay $0x3  }
0x37: {  	[smem:$0x3FB8] =	sst s10  }
0x38: {  	s10 =	sld [smem:$0x3FB9]  }
0x39: {  	_ = 	snop;
	(pc) =	sbr.ind lr, $3  }
0x3a: {  	_ = 	snop  }
0x3b: {  	_ = 	snop  }
0x3c: {  	p2 =	seq.s32 s10, $0x1;
	s10 =	sld [smem:$0x3FB8]  }
0x3d: {  	_ =	shalt  }
0x3e: {  	_ =	shalt  }
0x3f: {  	_ =	shalt  }
0x40: {  	_ =	shalt  }
0x41: {  	_ =	shalt  }
0x42: {  	_ =	shalt  }
0x43: {  	_ =	shalt  }
0x44: {  	_ =	shalt  }
0x45: {  	_ =	shalt  }
0x46: {  	_ =	shalt  }
0x47: {  	_ =	shalt  }
0x48: {  	_ =	shalt  }
0x49: {  	_ =	shalt  }
0x4a: {  	_ =	shalt  }
0x4b: {  	_ =	shalt  }
0x4c: {  	_ =	shalt  }
0x4d: {  	_ =	shalt  }
0x4e: {  	_ =	shalt  }
0x4f: {  	_ =	shalt  }
0x50: {  	_ =	shalt  }
0x51: {  	_ =	shalt  }
0x52: {  	_ =	shalt  }
0x53: {  	_ =	shalt  }
0x54: {  	_ =	shalt  }
0x55: {  	_ =	shalt  }
0x56: {  	_ =	shalt  }
0x57: {  	_ =	shalt  }
0x58: {  	_ =	shalt  }
0x59: {  	_ =	shalt  }
0x5a: {  	_ =	shalt  }
0x5b: {  	_ =	shalt  }
0x5c: {  	_ =	shalt  }
0x5d: {  	_ =	shalt  }
0x5e: {  	_ =	shalt  }
0x5f: {  	_ =	shalt  }
0x60: {  	_ =	shalt  }
0x61: {  	_ =	shalt  }
0x62: {  	_ =	shalt  }
0x63: {  	_ =	shalt  }
0x64: {  	_ =	shalt  }
0x65: {  	_ =	shalt  }
0x66: {  	_ =	shalt  }
0x67: {  	_ =	shalt  }
0x68: {  	_ =	shalt  }
0x69: {  	_ =	shalt  }
0x6a: {  	_ =	shalt  }
0x6b: {  	_ =	shalt  }
0x6c: {  	_ =	shalt  }
0x6d: {  	_ =	shalt  }
0x6e: {  	_ =	shalt  }
0x6f: {  	_ =	shalt  }
0x70: {  	_ =	shalt  }
0x71: {  	_ =	shalt  }
0x72: {  	_ =	shalt  }
0x73: {  	_ =	shalt  }
0x74: {  	_ =	shalt  }
0x75: {  	_ =	shalt  }
0x76: {  	_ =	shalt  }
0x77: {  	_ =	shalt  }
0x78: {  	_ =	shalt  }
0x79: {  	_ =	shalt  }
0x7a: {  	_ =	shalt  }
0x7b: {  	_ =	shalt  }
0x7c: {  	_ =	shalt  }
0x7d: {  	_ =	shalt  }
0x7e: {  	_ =	shalt  }
0x7f: {  	_ =	shalt  }
0x80: {  	_ =	shalt  }
0x81: {  	_ =	shalt  }
0x82: {  	_ =	shalt  }
0x83: {  	_ =	shalt  }
0x84: {  	_ =	shalt  }
0x85: {  	_ =	shalt  }
0x86: {  	_ =	shalt  }
0x87: {  	_ =	shalt  }
.Lfunc_end0:
.L_simem_size_0:
called_computation_lowered:
.L_overlay_start_0:
0x88: {  	s2 =	sld [smem:$0x3FD9]  }
0x89: {  	s3 =	sld [smem:$0x3FFE];
	_ =	sdelay $0x1  }
0x8a: {  	s1 =	srdreg.scid  }
0x8b: {  	s0 =	sand.u32 $0x1, s1  }
0x8c: {  	s17 =	sshll.u32 s0, $0xA;
	s2 =	sadd.s32 s3, s2  }
0x8d: {  	s2 =	sadd.s32 s2, s17  }
0x8e: {  	[smem:$0x3FC4] =	sst s2  }
0x8f: {  	_ = 	snop  }
0x90: {  	s2 =	sld [smem:$0x3FD0];
	(tm) =	ssettm $0x1  }
0x91: {  	s18 =	sld [smem:$0x3FFB];
	_ =	sdelay $0x3  }
0x92: {  	_ =	strace s18  }
0x93: {  	s3 =	sld [smem:$0x3FFC];
	_ =	sdelay $0x3  }
0x94: {  	_ =	strace s3  }
0x95: {  	s3 =	sld [smem:$0x3FFD];
	_ =	sdelay $0x3  }
0x96: {  	_ =	strace s3  }
0x97: {  	_ =	strace $0x8FFFFFFF  }
0x98: {  	s19 =	sld [smem:$0x3FDB];
	_ =	sdelay $0x1  }
0x99: {  	s4 =	simm.s32 $_scs_section_size  }
0x9a: {  	s5 =	simm.s32 $_size__tile_overlayer_lowered;
	s6 =	simm.s32 $_tile_overlayer_lowered  }
0x9b: {  	s22 =	simm.s32 $0x1BFF;
	s21 =	sshll.u32 s6, $0x1;
	s3 =	sadd.s32 s4, s19  }
0x9c: {  	s7 =	simm.s32 $0x0;
	s20 =	sshll.u32 s5, $0x1;
	s5 =	sadd.s32 s21, s3  }
0x9d: {  	[timem:s7], [sflag:s22] =	dma.local [hbm:s5], s20  }
0x9e: {  	_ =	swait.ge [sflag:s22], s20  }
0x9f: {  	s4 =	ssub.s32 $0x0, s20;
	[sflag:s22] =	ssyncset.done $0x0  }
0xa0: {  	[sflag:s22] =	ssyncadd.s32 s4;
	_ =	sdelay $0x1  }
0xa1: {  	s23 =	simm.s32 $0x1B8B  }
0xa2: {  	_ =	swait.ge [sflag:s23], $0x1  }
0xa3: {  	[sflag:s23] =	ssyncset.done $0x0  }
0xa4: {  	s25 =	simm.s32 $0x1B8E;
	s24 =	sld [smem:$0x3FFE];
	[sflag:s23] =	ssyncadd.s32 $0xFFFFFFFF  }
0xa5: {  	s26 =	simm.s32 $execute0_lowered;
	[smem:$0x3FD2] =	sst s25  }
0xa6: {  	s5 =	sshll.u32 s26, $0x1;
	_ =	strace $0x80000046;
	[dreg:$0x1] =	wrdreg $0xFFFFFFFF  }
0xa7: {  	s28 =	simm.s32 $_size_execute0_lowered;
	s3 =	sadd.s32 s3, s5;
	[dreg:$0x0] =	wrdreg $0x0  }
0xa8: {  	s5 =	sshll.u32 s28, $0x1;
	[dreg:$0x2] =	wrdreg s3  }
0xa9: {  	[dreg:$0x3] =	wrdreg s5  }
0xaa: {  	[dreg:$0x4] =	wrdreg $0xC0  }
0xab: {  	_ =	task [dreg:s7], $0x5FFFF  }
0xac: {  	[dreg:$0x1] =	wrdreg $0xFFFFFFFF  }
0xad: {  	[dreg:$0x0] =	wrdreg $0x60  }
0xae: {  	[dreg:$0x2] =	wrdreg s2  }
0xaf: {  	[dreg:$0x3] =	wrdreg s24  }
0xb0: {  	[dreg:$0x4] =	wrdreg $0x2B000  }
0xb1: {  	[dreg:$0x5] =	wrdreg $0x9  }
0xb2: {  	_ =	task.clear_ibuf [dreg:s7], $0x6FFFF;
	_ =	strace $0x90000046  }
0xb3: {  	s29 =	simm.s32 $0x9;
	_ =	strace $0x80000048  }
0xb4: {  	_ =	swait.ge [sflag:s29], $0x1  }
0xb5: {  	[sflag:s29] =	ssyncadd.s32 $0xFFFFFFFF  }
0xb6: {  	_ =	strace $0x90000048  }
0xb7: {  	_ =	sfence  }
0xb8: {  	s30 =	sld [smem:$0x0];
	_ =	sdelay $0x2  }
0xb9: {  	s31 =	sshll.u32 s1, $0xD;
	s1 =	sshrl.u32 s1, $0x2  }
0xba: {  	s3 =	sand.u32 $0x4000, s31;
	s1 =	sadd.s32 s1, s30  }
0xbb: {  	s0 =	sor.u32 s3, s0;
	s1 =	sshll.u32 s1, $0x11  }
0xbc: {  	s0 =	sor.u32 s1, s0  }
0xbd: {  	s0 =	sadd.s32 $0x8F2B, s0  }
0xbe: {  	[sflag:s0] =	ssyncadd.remote.s32 $0x1  }
0xbf: {  	_ =	sfence.sel $0xFFFF  }
0xc0: {  	[dreg:$0x0] =	wrdreg $0xFFFFFFFF;
	(pc) =	sbr.abs _section_cstart, $3  }
0xc1: {  	[dreg:$0x1] =	wrdreg $0xFFFFFFFF  }
0xc2: {  	_ =	task.clear_ibuf [dreg:s7], $0x2FFFF;
	_ =	strace $0x9FFFFFFF  }
0xc3: {  	(tm) =	ssettm $0x7FFFFFFF  }
tec
execute0_lowered:
.L_overlay_start_1:
0x0: {  	(tag) =	ssettag $0x1  }
0x1: {  	s10 =	rddreg [dreg:$0x0]  }
0x2: {  	s4 =	rddreg [dreg:$0x1]  }
0x3: {  	s2 =	rddreg [dreg:$0x2]  }
0x4: {  	s0 =	rddreg [dreg:$0x3]  }
0x5: {  	s5 =	srdreg.scid;
	s1 =	stileid.u32;
	s3 =	simm.s32 $0x0  }
0x6: {  	s14 =	simm.s32 $0x50;
	s15 =	simm.s32 $0x4;
	s20 =	simm.s32 $0x20  }
0x7: {  	s21 =	simm.s32 $0x10;
	s22 =	simm.s32 $0x0;
	s6 =	smul.u32 $0x500, s1  }
0x8: {  	s5 =	sand.u32 $0x1, s5;
	[smem:$0x7FF] =	sst s3;
	s31 =	smul.u32 $0xA00, s1  }
0x9: {  	s18 =	sshll.u32 s1, $0x6;
	s7 =	sshll.u32 s5, $0x7;
	_ =	strace $0x80000047  }
0xa: {  	s29 =	ssub.s32 $0x2, s5;
	s5 =	sshll.u32 s5, $0x4;
	s18 =	sor.u32 $0x1C01, s18  }
0xb: {  	s6 =	sor.u32 s7, s6;
	s30 =	sshrl.u32 s29, $0x1;
	s12 =	sor.u32 s1, s5  }
0xc: {  	s5 =	sadd.s32 $0x13400, s10;
	s7 =	sadd.s32 $0x13890, s10;
	s6 =	sshrl.u32 s6, $0x3  }
0xd: {  	s13 =	ssub.s32 s29, s30;
	p0 =	slt.u32 s12, $0x18;
	p1 =	seq.s32 s12, $0x1F  }
0xe: {  	s8 =	smin.u32 s12, $0x18;
	s9 =	sadd.s32 $0xFFFFFFE8, s12;
	s16 =	smul.u32 $0x480, s12  }
0xf: {  	s11 =	sadd.s32 s6, s4;
	s14 =	simm.s32 @!p0 $0x48;
	s15 =	simm.s32 @!p1 $0x0  }
0x10: {  	s4 =	sshrl.u32 s31, $0x2;
	s6 =	sadd.s32 $0x13880, s10;
	s17 =	sshll.u32 s8, $0x7  }
0x11: {  	p0 =	sgt.u32 s12, $0x17;
	s8 =	sadd.s32 $0x138A0, s10;
	s4 =	sadd.s32 s4, s2  }
0x12: {  	s16 =	sadd.s32 s16, s17;
	p2 =	sgt.u32 @p0 s9, $0x6;
	s9 =	sadd.s32 $0x138B0, s10  }
0x13: {  	s11 =	sadd.s32 $0x1A00, s11;
	s17 =	simm.s32 $0x2800;
	s10 =	sadd.s32 s16, s10  }
0x14: {  	p1 =	por !p2, !p0;
	s16 =	simm.s32 $0x80;
	s19 =	sshrl.u32 s4, $0x3  }
0x15: {  	s10 =	sadd.s32 $0x9C80, s10;
	p1 =	sne.s32 @!p1 s12, $0x1F;
	s12 =	smax.u32 s13, $0x1  }
0x16: {  	s13 =	sor.u32 s15, s14;
	s14 =	simm.s32 $0x2880;
	p1 =	por @p0 p1, !p2  }
0x17: {  	v0 =	vimm.f32 $1.000000000e+00;
	v1 =	vimm.f32 $0.0e+00;
	s15 =	simm.s32 $0x1;
	p2 =	por p2, !p0;
	p1 =	por p1, !p0  }
.LBB2_1:
0x18: {  	[tilespmem:$0x2800] =	vst v0  }
0x19: {  	[tilespmem:$0x2810] =	vst v0  }
0x1a: {  	[tilespmem:$0x2820] =	vst v0  }
0x1b: {  	[tilespmem:$0x2830] =	vst v0  }
0x1c: {  	[tilespmem:$0x2840] =	vst v0  }
0x1d: {  	[tilespmem:$0x2850] =	vst v0  }
0x1e: {  	[tilespmem:$0x2860] =	vst v0  }
0x1f: {  	[tilespmem:$0x2870] =	vst v0  }
0x20: {  	[tilespmem:$0x2880] =	vst v1  }
0x21: {  	[tilespmem:$0x2890] =	vst v1  }
0x22: {  	[tilespmem:$0x28A0] =	vst v1  }
0x23: {  	[tilespmem:$0x28B0] =	vst v1  }
0x24: {  	[tilespmem:$0x28C0] =	vst v1  }
0x25: {  	[tilespmem:$0x28D0] =	vst v1  }
0x26: {  	[tilespmem:$0x28E0] =	vst v1  }
0x27: {  	[tilespmem:$0x28F0] =	vst v1  }
0x28: {  	[tilespmem:$0x2900] =	vst v1  }
0x29: {  	[tilespmem:$0x2910] =	vst v1  }
0x2a: {  	[tilespmem:$0x2920] =	vst v1  }
0x2b: {  	[tilespmem:$0x2930] =	vst v1  }
0x2c: {  	[tilespmem:$0x2940] =	vst v1  }
0x2d: {  	[tilespmem:$0x2950] =	vst v1  }
0x2e: {  	[tilespmem:$0x2960] =	vst v1  }
0x2f: {  	[tilespmem:$0x2970] =	vst v1  }
0x30: {  	[tilespmem:$0x2980] =	vst v1  }
0x31: {  	[tilespmem:$0x2990] =	vst v1  }
0x32: {  	[tilespmem:$0x29A0] =	vst v1  }
0x33: {  	[tilespmem:$0x29B0] =	vst v1  }
0x34: {  	[tilespmem:$0x29C0] =	vst v1  }
0x35: {  	[tilespmem:$0x29D0] =	vst v1  }
0x36: {  	[tilespmem:$0x29E0] =	vst v1  }
0x37: {  	[tilespmem:$0x29F0] =	vst v1  }
0x38: {  	[tilespmem:$0x2A00] =	vst v1  }
0x39: {  	[tilespmem:$0x2A10] =	vst v1  }
0x3a: {  	[tilespmem:$0x2A20] =	vst v1  }
0x3b: {  	[tilespmem:$0x2A30] =	vst v1  }
0x3c: {  	[tilespmem:$0x2A40] =	vst v1  }
0x3d: {  	[tilespmem:$0x2A50] =	vst v1  }
0x3e: {  	[tilespmem:$0x2A60] =	vst v1  }
0x3f: {  	[tilespmem:$0x2A70] =	vst v1  }
0x40: {  	[tilespmem:$0x2A80] =	vst v1  }
0x41: {  	[tilespmem:$0x2A90] =	vst v1  }
0x42: {  	[tilespmem:$0x2AA0] =	vst v1  }
0x43: {  	[tilespmem:$0x2AB0] =	vst v1  }
0x44: {  	[tilespmem:$0x2AC0] =	vst v1  }
0x45: {  	[tilespmem:$0x2AD0] =	vst v1  }
0x46: {  	[tilespmem:$0x2AE0] =	vst v1  }
0x47: {  	[tilespmem:$0x2AF0] =	vst v1  }
0x48: {  	[spmem:s4] =	stream.linear.scatter [tilespmem:s14], [sflag:$0x1], $0x280, $0x38;
	[tilespmem:$0x2D80] =	vst v63  }
0x49: {  	_ =	swait.ge [sflag:s15], $0x280  }
0x4a: {  	[sflag:s15] =	ssyncset.done $0x0  }
0x4b: {  	[sflag:s15] =	ssyncadd.s32 $0xFFFFFD80  }
0x4c: {  	s23 =	simm.s32 @!p1 $0x0;
	s24 =	simm.s32 @!p1 $0x1;
	[bflag:$0x0] =	sbarrier.arrive $0xFFFF  }
0x4d: {  	[tilespmem:s23], [sflag:$0x1] =	stream.linear.gather @!p1 [hbm4b:s5+s23], $0x2400, $0x38;
	[tilespmem:$0x2D80] =	vst v63  }
0x4e: {  	_ =	swait.ge @!p1 [sflag:s24], $0x2400  }
0x4f: {  	[sflag:s24] =	ssyncset.done @!p1 $0x0  }
0x50: {  	s25 =	simm.s32 @!p1 $0x2400;
	[sflag:s24] =	ssyncadd.s32 @!p1 $0xFFFFDC00  }
0x51: {  	[tilespmem:s25], [sflag:$0x1] =	stream.linear.gather @!p1 [hbm4b:s6+s23], $0x80, $0x38;
	[tilespmem:$0x2D80] =	vst v63  }
0x52: {  	_ =	swait.ge @!p1 [sflag:s24], $0x80  }
0x53: {  	[sflag:s24] =	ssyncset.done @!p1 $0x0  }
0x54: {  	s25 =	simm.s32 @!p1 $0x2480;
	[sflag:s24] =	ssyncadd.s32 @!p1 $0xFFFFFF80  }
0x55: {  	[tilespmem:s25], [sflag:$0x1] =	stream.linear.gather @!p1 [hbm4b:s7+s23], $0x80, $0x38;
	[tilespmem:$0x2D80] =	vst v63  }
0x56: {  	_ =	swait.ge @!p1 [sflag:s24], $0x80  }
0x57: {  	[sflag:s24] =	ssyncset.done @!p1 $0x0  }
0x58: {  	s25 =	simm.s32 @!p1 $0x2500;
	[sflag:s24] =	ssyncadd.s32 @!p1 $0xFFFFFF80  }
0x59: {  	[tilespmem:s25], [sflag:$0x1] =	stream.linear.gather @!p1 [hbm4b:s8+s23], $0x80, $0x38;
	[tilespmem:$0x2D80] =	vst v63  }
0x5a: {  	_ =	swait.ge @!p1 [sflag:s24], $0x80  }
0x5b: {  	[sflag:s24] =	ssyncset.done @!p1 $0x0  }
0x5c: {  	s25 =	simm.s32 @!p1 $0x2580;
	[sflag:s24] =	ssyncadd.s32 @!p1 $0xFFFFFF80  }
0x5d: {  	[tilespmem:s25], [sflag:$0x1] =	stream.linear.gather @!p1 [hbm4b:s9+s23], $0x80, $0x38;
	[tilespmem:$0x2D80] =	vst v63  }
0x5e: {  	_ =	swait.ge @!p1 [sflag:s24], $0x80  }
0x5f: {  	[sflag:s24] =	ssyncset.done @!p1 $0x0  }
0x60: {  	s23 =	simm.s32 @!p2 $0x0;
	[sflag:s24] =	ssyncadd.s32 @!p1 $0xFFFFFF80  }
0x61: {  	[tilespmem:s23], [sflag:$0x1] =	stream.linear.gather @!p2 [hbm4b:s10+s23], $0x2400, $0x38;
	[tilespmem:$0x2D80] =	vst v63  }
0x62: {  	s23 =	simm.s32 @!p2 $0x1  }
0x63: {  	_ =	swait.ge @!p2 [sflag:s23], $0x2400  }
0x64: {  	[sflag:s23] =	ssyncset.done @!p2 $0x0  }
0x65: {  	[sflag:s23] =	ssyncadd.s32 @!p2 $0xFFFFDC00;
	s23 =	simm.s32 @!p0 $0x0  }
0x66: {  	[tilespmem:s23], [sflag:$0x1] =	stream.linear.gather @!p0 [hbm4b:s10+s23], $0x2800, $0x38;
	[tilespmem:$0x2D80] =	vst v63  }
0x67: {  	s23 =	simm.s32 @!p0 $0x1  }
0x68: {  	p3 =	sne.s32 s13, $0x1;
	_ =	swait.ge @!p0 [sflag:s23], $0x2800  }
.Ltmp0:
0x69: {  	[sflag:s23] =	ssyncset.done @!p0 $0x0;
	(pc) =	sbr.rel @!p3 .LBB2_3-.Ltmp0, $4  }
0x6a: {  	[sflag:s23] =	ssyncadd.s32 @!p0 $0xFFFFD800  }
0x6b: {  	[spmem:s2] =	stream.indirect.scatter.add.f32 [tilespmem:s17], [sflag:$0x1], $0x1, s3, s16, $0xb8;
	[tilespmem:$0x2D80] =	vst v63  }
0x6c: {  	_ =	swait.ge [sflag:s15], $0x80  }
0x6d: {  	s24 =	simm.s32 $0x0;
	s23 =	sadd.s32 $0xFFFFFFFF, s13;
	[sflag:s15] =	ssyncset.done $0x0  }
.LBB2_2:
0x6e: {  	p3 =	sne.s32 s23, $0x1;
	[sflag:s15] =	ssyncadd.s32 $0xFFFFFF80;
	s24 =	sadd.s32 $0x80, s24  }
.Ltmp1:
0x6f: {  	s23 =	sadd.s32 $0xFFFFFFFF, s23;
	(pc) =	sbr.rel @p3 .LBB2_2-.Ltmp1, $4  }
0x70: {  	_ = 	snop  }
0x71: {  	[spmem:s2] =	stream.indirect.scatter.add.f32 [tilespmem:s17], [sflag:$0x1], $0x1, s24, s16, $0xb8;
	[tilespmem:$0x2D80] =	vst v63  }
0x72: {  	_ =	swait.ge [sflag:s15], $0x80  }
0x73: {  	[sflag:s15] =	ssyncset.done $0x0  }
.LBB2_3:
0x74: {  	s22 =	sadd.s32 $0x1, s22  }
0x75: {  	[sflag:s15] =	ssyncadd.s32 $0xFFFFFF80;
	p3 =	sne.s32 s22, s12  }
.Ltmp2:
0x76: {  	[bflag:$0x0] =	sbarrier.arrive $0xFFFF;
	(pc) =	sbr.rel @p3 .LBB2_1-.Ltmp2, $4  }
0x77: {  	[hbm:s11@s20], [sflag:s18] =	dma.strided [spmem:s19@s21], $0x50, s15, $0x10   }
0x78: {  	_ =	swait.ge [sflag:s15], $0x50  }
0x79: {  	[sflag:s15] =	ssyncset.done $0x0  }
0x7a: {  	[sflag:s15] =	ssyncadd.s32 $0xFFFFFFB0  }
0x7b: {  	_ =	sfence.sel $0x180000  }
0x7c: {  	[bflag:$0x0] =	sbarrier.arrive $0xFFFF  }
0x7d: {  	p0 =	sne.s32 s1, $0x0;
	_ =	strace $0x90000047  }
0x7e: {  	s0 =	sadd.s32 @!p0 $0x100000, s0;
	[bflag:$0x2] =	sbarrier.arrive $0xFFFF  }
0x7f: {  	[sflag:s0] =	ssyncadd.tile.s32 @!p0 $0x1;
	_ =	shalt  }
.Lfunc_end2:
_tile_overlayer_lowered:
.L_overlay_start_2:
0x80: {  	(tag) =	ssettag $0x2  }
0x81: {  	s0 =	rddreg [dreg:$0x0];
	s2 =	stileid.u32  }
0x82: {  	s1 =	rddreg [dreg:$0x1];
	p0 =	sne.s32 s2, $0x0  }
0x83: {  	s3 =	rddreg [dreg:$0x2];
	[bflag:$0x3] =	sbarrier.arrive $0xFFFF;
	s2 =	simm.s32 @!p0 $0x1C01  }
0x84: {  	[timem:s3], [sflag:s2] =	dma.local @!p0 [hbm:s0], s1  }
0x85: {  	s0 =	simm.s32 @!p0 $0x1  }
0x86: {  	_ =	swait.ge @!p0 [sflag:s0], s1  }
0x87: {  	s1 =	ssub.s32 @!p0 $0x0, s1;
	[sflag:s0] =	ssyncset.done @!p0 $0x0  }
0x88: {  	[sflag:s0] =	ssyncadd.s32 @!p0 s1  }
0x89: {  	[bflag:$0x3] =	sbarrier.arrive $0xFFFF  }
0x8a: {  	_ =	shalt  }

// kernel: kernel.9.cloned.1.call-start
scs
__scs_entry_jumppad:
0x0: {  	(pc) =	sbr.rel $0x88, $3  }
0x1: {  	(tag) =	ssettag $0x0;
	lr =	simm.s32 $0x1  }
0x2: {  	[smem:$0x3F9D] =	sst lr;
	_ =	strace $0xD0000000  }
0x3: {  	_ = 	snop  }
0x4: {  	_ = 	snop  }
0x5: {  	_ = 	snop  }
0x6: {  	_ = 	snop  }
0x7: {  	_ = 	snop  }
__scs_overlays_trampoline_lowered:
0x8: {  	[smem:$0x3FAC] =	sst s0  }
0x9: {  	[smem:$0x3FAD] =	sst s1  }
0xa: {  	[smem:$0x3FAE] =	sst s2  }
0xb: {  	[smem:$0x3FAF] =	sst s3  }
0xc: {  	[smem:$0x3FB0] =	sst s4  }
0xd: {  	[smem:$0x3FB1] =	sst s5  }
0xe: {  	[smem:$0x3FB2] =	sst s6  }
0xf: {  	[smem:$0x3FB3] =	sst s7  }
0x10: {  	[smem:$0x3FB4] =	sst s8  }
0x11: {  	[smem:$0x3FB5] =	sst s9;
	s0 =	simm.s32 @!p0 $0x0  }
0x12: {  	s1 =	sld [smem:$0x3F9B];
	s0 =	simm.s32 @p0 $0x1  }
0x13: {  	[smem:$0x3FB6] =	sst s0;
	s0 =	simm.s32 @!p1 $0x0  }
0x14: {  	s2 =	sld [smem:$0x3F9A];
	s0 =	simm.s32 @p1 $0x1  }
0x15: {  	[smem:$0x3FB7] =	sst s0;
	s0 =	simm.s32 @!p2 $0x0  }
0x16: {  	s3 =	sld [smem:$0x3FDB];
	s0 =	simm.s32 @p2 $0x1  }
0x17: {  	s4 =	simm.s32 $0x1BF5;
	[smem:$0x3FB9] =	sst s0  }
0x18: {  	s0 =	sld [smem:$0x3F9C];
	_ =	swait.ge [sflag:s4], $0x0  }
0x19: {  	s7 =	sld [smem:$0x3F9D]  }
0x1a: {  	s8 =	sadd.s32 $0xFFFFE003, lr  }
0x1b: {  	s9 =	sadd.s32 $0xFFFFFEF7, lr;
	s5 =	simm.s32 $0xFFFFFFFF;
	p2 =	slt.u32 s8, $0xFFFFF086  }
0x1c: {  	p1 =	slt.u32 s9, $0xF7A;
	s5 =	simm.s32 @!p2 $0x0  }
0x1d: {  	s5 =	simm.s32 @p1 $0x1;
	p0 =	seq.s32 s7, s2  }
0x1e: {  	s7 =	smul.u32 @!p0 $0xF7A, s2;
	p2 =	seq.s32 @!p0 s5, $0x0  }
0x1f: {  	s9 =	smul.u32 $0xF7A, s1;
	s8 =	simm.s32 @!p0 $0x1BF5;
	p2 =	por !p2, p0  }
0x20: {  	[sflag:s8] =	ssyncset.s32 @!p0 $0xFFFFF086;
	s6 =	sadd.s32 @!p0 s3, s7;
	s7 =	simm.s32 @!p0 $0x108  }
0x21: {  	s3 =	sadd.s32 s3, s9;
	s6 =	sadd.s32 @!p0 $0x88, s6;
	s7 =	simm.s32 @p2 $0x1082  }
0x22: {  	[simem:s7], [sflag:s8] =	dma.local @!p0 [hbm:s6], $0xF7A  }
0x23: {  	s9 =	sor.u32 $0xD0000000, s2;
	s6 =	simm.s32 $0x108;
	_ =	swait.ge @!p0 [sflag:s8], $0x0  }
0x24: {  	s3 =	sadd.s32 $0x88, s3;
	s6 =	simm.s32 @!p1 $0x1082;
	[sflag:s4] =	ssyncset.s32 $0xFFFFF086  }
0x25: {  	[simem:s6], [sflag:s4] =	dma.local [hbm:s3], $0xF7A  }
0x26: {  	[smem:$0x3F9D] =	sst s1;
	(tag) =	ssettag s2;
	_ =	strace s9  }
0x27: {  	s1 =	sld [smem:$0x3FAD]  }
0x28: {  	s2 =	sld [smem:$0x3FAE]  }
0x29: {  	s4 =	sld [smem:$0x3FB0]  }
0x2a: {  	p0 =	seq.s32 s5, $0x0;
	s5 =	sld [smem:$0x3FB1]  }
0x2b: {  	s6 =	sld [smem:$0x3FB2]  }
0x2c: {  	s7 =	sld [smem:$0x3FB3]  }
0x2d: {  	s3 =	simm.s32 $0x108;
	s8 =	sld [smem:$0x3FB4]  }
0x2e: {  	s3 =	simm.s32 @!p0 $0x1082;
	s9 =	sld [smem:$0x3FB5]  }
0x2f: {  	lr =	sadd.s32 s0, s3;
	s0 =	sld [smem:$0x3FAC]  }
0x30: {  	s3 =	sld [smem:$0x3FAF]  }
0x31: {  	[smem:$0x3FB8] =	sst s10  }
0x32: {  	s10 =	sld [smem:$0x3FB6];
	_ =	sdelay $0x3  }
0x33: {  	p0 =	seq.s32 s10, $0x1;
	s10 =	sld [smem:$0x3FB8];
	_ =	sdelay $0x3  }
0x34: {  	[smem:$0x3FB8] =	sst s10  }
0x35: {  	s10 =	sld [smem:$0x3FB7];
	_ =	sdelay $0x3  }
0x36: {  	p1 =	seq.s32 s10, $0x1;
	s10 =	sld [smem:$0x3FB8];
	_ =	sdelay $0x3  }
0x37: {  	[smem:$0x3FB8] =	sst s10  }
0x38: {  	s10 =	sld [smem:$0x3FB9]  }
0x39: {  	_ = 	snop;
	(pc) =	sbr.ind lr, $3  }
0x3a: {  	_ = 	snop  }
0x3b: {  	_ = 	snop  }
0x3c: {  	p2 =	seq.s32 s10, $0x1;
	s10 =	sld [smem:$0x3FB8]  }
0x3d: {  	_ =	shalt  }
0x3e: {  	_ =	shalt  }
0x3f: {  	_ =	shalt  }
0x40: {  	_ =	shalt  }
0x41: {  	_ =	shalt  }
0x42: {  	_ =	shalt  }
0x43: {  	_ =	shalt  }
0x44: {  	_ =	shalt  }
0x45: {  	_ =	shalt  }
0x46: {  	_ =	shalt  }
0x47: {  	_ =	shalt  }
0x48: {  	_ =	shalt  }
0x49: {  	_ =	shalt  }
0x4a: {  	_ =	shalt  }
0x4b: {  	_ =	shalt  }
0x4c: {  	_ =	shalt  }
0x4d: {  	_ =	shalt  }
0x4e: {  	_ =	shalt  }
0x4f: {  	_ =	shalt  }
0x50: {  	_ =	shalt  }
0x51: {  	_ =	shalt  }
0x52: {  	_ =	shalt  }
0x53: {  	_ =	shalt  }
0x54: {  	_ =	shalt  }
0x55: {  	_ =	shalt  }
0x56: {  	_ =	shalt  }
0x57: {  	_ =	shalt  }
0x58: {  	_ =	shalt  }
0x59: {  	_ =	shalt  }
0x5a: {  	_ =	shalt  }
0x5b: {  	_ =	shalt  }
0x5c: {  	_ =	shalt  }
0x5d: {  	_ =	shalt  }
0x5e: {  	_ =	shalt  }
0x5f: {  	_ =	shalt  }
0x60: {  	_ =	shalt  }
0x61: {  	_ =	shalt  }
0x62: {  	_ =	shalt  }
0x63: {  	_ =	shalt  }
0x64: {  	_ =	shalt  }
0x65: {  	_ =	shalt  }
0x66: {  	_ =	shalt  }
0x67: {  	_ =	shalt  }
0x68: {  	_ =	shalt  }
0x69: {  	_ =	shalt  }
0x6a: {  	_ =	shalt  }
0x6b: {  	_ =	shalt  }
0x6c: {  	_ =	shalt  }
0x6d: {  	_ =	shalt  }
0x6e: {  	_ =	shalt  }
0x6f: {  	_ =	shalt  }
0x70: {  	_ =	shalt  }
0x71: {  	_ =	shalt  }
0x72: {  	_ =	shalt  }
0x73: {  	_ =	shalt  }
0x74: {  	_ =	shalt  }
0x75: {  	_ =	shalt  }
0x76: {  	_ =	shalt  }
0x77: {  	_ =	shalt  }
0x78: {  	_ =	shalt  }
0x79: {  	_ =	shalt  }
0x7a: {  	_ =	shalt  }
0x7b: {  	_ =	shalt  }
0x7c: {  	_ =	shalt  }
0x7d: {  	_ =	shalt  }
0x7e: {  	_ =	shalt  }
0x7f: {  	_ =	shalt  }
0x80: {  	_ =	shalt  }
0x81: {  	_ =	shalt  }
0x82: {  	_ =	shalt  }
0x83: {  	_ =	shalt  }
0x84: {  	_ =	shalt  }
0x85: {  	_ =	shalt  }
0x86: {  	_ =	shalt  }
0x87: {  	_ =	shalt  }
.Lfunc_end0:
.L_simem_size_0:
called_computation.1_lowered:
.L_overlay_start_0:
0x88: {  	s2 =	sld [smem:$0x3FD9]  }
0x89: {  	s3 =	sld [smem:$0x3FFE];
	_ =	sdelay $0x1  }
0x8a: {  	s1 =	srdreg.scid  }
0x8b: {  	s0 =	sand.u32 $0x1, s1  }
0x8c: {  	s17 =	sshll.u32 s0, $0xA;
	s2 =	sadd.s32 s3, s2  }
0x8d: {  	s2 =	sadd.s32 s2, s17  }
0x8e: {  	[smem:$0x3FC4] =	sst s2  }
0x8f: {  	_ = 	snop  }
0x90: {  	s2 =	sld [smem:$0x3FD0];
	(tm) =	ssettm $0x1  }
0x91: {  	s18 =	sld [smem:$0x3FFB];
	_ =	sdelay $0x3  }
0x92: {  	_ =	strace s18  }
0x93: {  	s3 =	sld [smem:$0x3FFC];
	_ =	sdelay $0x3  }
0x94: {  	_ =	strace s3  }
0x95: {  	s3 =	sld [smem:$0x3FFD];
	_ =	sdelay $0x3  }
0x96: {  	_ =	strace s3  }
0x97: {  	_ =	strace $0x8FFFFFFF  }
0x98: {  	s19 =	sld [smem:$0x3FDB];
	_ =	sdelay $0x1  }
0x99: {  	s4 =	simm.s32 $_scs_section_size  }
0x9a: {  	s5 =	simm.s32 $_size__tile_overlayer_lowered;
	s6 =	simm.s32 $_tile_overlayer_lowered  }
0x9b: {  	s22 =	simm.s32 $0x1BFF;
	s21 =	sshll.u32 s6, $0x1;
	s3 =	sadd.s32 s4, s19  }
0x9c: {  	s7 =	simm.s32 $0x0;
	s20 =	sshll.u32 s5, $0x1;
	s5 =	sadd.s32 s21, s3  }
0x9d: {  	[timem:s7], [sflag:s22] =	dma.local [hbm:s5], s20  }
0x9e: {  	_ =	swait.ge [sflag:s22], s20  }
0x9f: {  	s4 =	ssub.s32 $0x0, s20;
	[sflag:s22] =	ssyncset.done $0x0  }
0xa0: {  	[sflag:s22] =	ssyncadd.s32 s4;
	_ =	sdelay $0x1  }
0xa1: {  	s23 =	simm.s32 $0x1B8B  }
0xa2: {  	_ =	swait.ge [sflag:s23], $0x1  }
0xa3: {  	[sflag:s23] =	ssyncset.done $0x0  }
0xa4: {  	s25 =	simm.s32 $0x1B8E;
	s24 =	sld [smem:$0x3FFE];
	[sflag:s23] =	ssyncadd.s32 $0xFFFFFFFF  }
0xa5: {  	s26 =	simm.s32 $execute0_lowered;
	[smem:$0x3FD2] =	sst s25  }
0xa6: {  	s5 =	sshll.u32 s26, $0x1;
	_ =	strace $0x80000049;
	[dreg:$0x1] =	wrdreg $0xFFFFFFFF  }
0xa7: {  	s28 =	simm.s32 $_size_execute0_lowered;
	s3 =	sadd.s32 s3, s5;
	[dreg:$0x0] =	wrdreg $0x0  }
0xa8: {  	s5 =	sshll.u32 s28, $0x1;
	[dreg:$0x2] =	wrdreg s3  }
0xa9: {  	[dreg:$0x3] =	wrdreg s5  }
0xaa: {  	[dreg:$0x4] =	wrdreg $0xC0  }
0xab: {  	_ =	task [dreg:s7], $0x5FFFF  }
0xac: {  	[dreg:$0x1] =	wrdreg $0xFFFFFFFF  }
0xad: {  	[dreg:$0x0] =	wrdreg $0x60  }
0xae: {  	[dreg:$0x2] =	wrdreg s2  }
0xaf: {  	[dreg:$0x3] =	wrdreg s24  }
0xb0: {  	[dreg:$0x4] =	wrdreg $0x83000  }
0xb1: {  	[dreg:$0x5] =	wrdreg $0x9  }
0xb2: {  	_ =	task.clear_ibuf [dreg:s7], $0x6FFFF;
	_ =	strace $0x90000049  }
0xb3: {  	s29 =	simm.s32 $0x9;
	_ =	strace $0x8000004B  }
0xb4: {  	_ =	swait.ge [sflag:s29], $0x1  }
0xb5: {  	[sflag:s29] =	ssyncadd.s32 $0xFFFFFFFF  }
0xb6: {  	_ =	strace $0x9000004B  }
0xb7: {  	_ =	sfence  }
0xb8: {  	s30 =	sld [smem:$0x0];
	_ =	sdelay $0x2  }
0xb9: {  	s31 =	sshll.u32 s1, $0xD;
	s1 =	sshrl.u32 s1, $0x2  }
0xba: {  	s3 =	sand.u32 $0x4000, s31;
	s1 =	sadd.s32 s1, s30  }
0xbb: {  	s0 =	sor.u32 s3, s0;
	s1 =	sshll.u32 s1, $0x11  }
0xbc: {  	s0 =	sor.u32 s1, s0  }
0xbd: {  	s0 =	sadd.s32 $0x8F2B, s0  }
0xbe: {  	[sflag:s0] =	ssyncadd.remote.s32 $0x1  }
0xbf: {  	_ =	sfence.sel $0xFFFF  }
0xc0: {  	[dreg:$0x0] =	wrdreg $0xFFFFFFFF;
	(pc) =	sbr.abs _section_cstart, $3  }
0xc1: {  	[dreg:$0x1] =	wrdreg $0xFFFFFFFF  }
0xc2: {  	_ =	task.clear_ibuf [dreg:s7], $0x2FFFF;
	_ =	strace $0x9FFFFFFF  }
0xc3: {  	(tm) =	ssettm $0x7FFFFFFF  }
tec
execute0_lowered:
.L_overlay_start_1:
0x0: {  	(tag) =	ssettag $0x1  }
0x1: {  	s1 =	rddreg [dreg:$0x0]  }
0x2: {  	s0 =	rddreg [dreg:$0x1]  }
0x3: {  	s2 =	rddreg [dreg:$0x2];
	s3 =	simm.s32 $0x0;
	s4 =	srdreg.scid  }
0x4: {  	s16 =	stileid.u32;
	s6 =	simm.s32 $0x4F;
	s31 =	simm.s32 $0x300  }
0x5: {  	[smem:$0x7FF] =	sst s3;
	s4 =	sand.u32 $0x1, s4;
	s9 =	smul.u32 $0x4E, s16  }
0x6: {  	s5 =	sadd.s32 $0x1A00, s0;
	s0 =	sadd.s32 $0x29A00, s0;
	s11 =	smul.u32 $0x50000, s16  }
0x7: {  	p1 =	slt.u32 s16, $0x4;
	s10 =	smin.u32 s16, $0x4;
	s13 =	smul.u32 $0x14000, s16  }
0x8: {  	s16 =	smul.u32 $0x2700, s16;
	_ =	strace $0x8000004A;
	s7 =	ssub.s32 $0x2, s4  }
0x9: {  	p0 =	seq.s32 s4, $0x0;
	s6 =	simm.s32 @!p1 $0x4E;
	s4 =	smul.u32 $0x140000, s4  }
0xa: {  	s8 =	sshrl.u32 s7, $0x1;
	s10 =	simm.s32 @!p0 $0x4E4;
	s6 =	simm.s32 @!p0 $0x4E  }
0xb: {  	s29 =	sshrl.u32 s11, $0x2;
	s30 =	sadd.s32 $0x14000, s13;
	s22 =	sadd.s32 $0x4000, s13  }
0xc: {  	s12 =	ssub.s32 s7, s8;
	s9 =	sadd.s32 s9, s10;
	s7 =	sadd.s32 s29, s2  }
0xd: {  	s8 =	sadd.s32 s30, s2;
	s21 =	sadd.s32 s4, s30;
	s23 =	sadd.s32 s4, s13  }
0xe: {  	s24 =	sadd.s32 s4, s22;
	s30 =	sadd.s32 s22, s2;
	s10 =	sshll.u32 s10, $0x7  }
0xf: {  	s14 =	sshll.u32 s9, $0x7;
	s9 =	sshll.u32 s9, $0x4;
	s25 =	sshrl.u32 s23, $0x3  }
0x10: {  	s26 =	sshrl.u32 s24, $0x3;
	s28 =	smax.u32 s12, $0x1;
	s10 =	sadd.s32 s10, s16  }
0x11: {  	s23 =	sshrl.u32 s30, $0x3;
	s30 =	sadd.s32 $0x10000, s7;
	[dreg:$0xa] =	wrdreg s28  }
0x12: {  	s15 =	sadd.s32 $0x4E400, s14;
	s9 =	sadd.s32 s1, s9;
	[dreg:$0xf] =	wrdreg s23  }
0x13: {  	s18 =	sshrl.u32 s14, $0x3;
	s14 =	sadd.s32 $0x4E480, s14;
	[dreg:$0x16] =	wrdreg s30  }
0x14: {  	s29 =	sadd.s32 s0, s26;
	s26 =	sadd.s32 $0x4000, s7;
	[dreg:$0x4] =	wrdreg s9  }
0x15: {  	s28 =	sadd.s32 $0x8000, s7;
	s17 =	sshrl.u32 s15, $0x3;
	[dreg:$0xb] =	wrdreg s29  }
0x16: {  	s15 =	sadd.s32 s1, s18;
	s20 =	sshrl.u32 s14, $0x3;
	[dreg:$0x13] =	wrdreg s26  }
0x17: {  	s18 =	sadd.s32 $0xC000, s13;
	[dreg:$0x14] =	wrdreg s28;
	s29 =	sadd.s32 $0xC000, s7  }
0x18: {  	s9 =	sadd.s32 s1, s17;
	s19 =	sadd.s32 $0x10, s15;
	[dreg:$0x15] =	wrdreg s29  }
0x19: {  	s15 =	sadd.s32 $0x8000, s13;
	s13 =	sadd.s32 $0x10000, s13;
	[dreg:$0x5] =	wrdreg s9  }
0x1a: {  	[dreg:$0x6] =	wrdreg s19;
	s9 =	sadd.s32 s1, s20;
	s17 =	sadd.s32 s4, s15  }
0x1b: {  	s19 =	sadd.s32 s4, s18;
	s11 =	sadd.s32 s15, s2;
	s4 =	sadd.s32 s4, s13  }
0x1c: {  	s20 =	sadd.s32 s18, s2;
	[dreg:$0x7] =	wrdreg s9;
	s9 =	sshrl.u32 s21, $0x3  }
0x1d: {  	s14 =	sshrl.u32 s17, $0x3;
	s12 =	sshrl.u32 s19, $0x3;
	s24 =	sshrl.u32 s11, $0x3  }
0x1e: {  	s4 =	sshrl.u32 s4, $0x3;
	s9 =	sadd.s32 s0, s9;
	[dreg:$0x10] =	wrdreg s24  }
0x1f: {  	s19 =	sadd.s32 $0x100, s10;
	s14 =	sadd.s32 s0, s14;
	[dreg:$0x8] =	wrdreg s9  }
0x20: {  	s21 =	sadd.s32 s13, s2;
	s12 =	sadd.s32 s0, s12;
	[dreg:$0xc] =	wrdreg s14  }
0x21: {  	s10 =	simm.s32 $0x3;
	s9 =	sadd.s32 s0, s25;
	[dreg:$0xd] =	wrdreg s12  }
0x22: {  	s22 =	sshrl.u32 s19, $0x3;
	s0 =	sadd.s32 s0, s4;
	[dreg:$0x9] =	wrdreg s9  }
0x23: {  	s17 =	sadd.s32 s22, s1;
	s25 =	sshrl.u32 s20, $0x3;
	[dreg:$0xe] =	wrdreg s0  }
0x24: {  	s4 =	simm.s32 $0x80;
	[dreg:$0x11] =	wrdreg s25;
	s0 =	sshrl.u32 s21, $0x3  }
0x25: {  	v0 =	vimm.f32 $0.0e+00;
	s9 =	simm.s32 $0x1;
	[dreg:$0x12] =	wrdreg s0;
	s0 =	simm.s32 $0x4  }
.LBB2_1:
0x26: {  	s11 =	simm.s32 $0x0;
	s12 =	simm.s32 $0x200  }
.LBB2_2:
0x27: {  	p0 =	sne.s32 s12, $0xFE00;
	[tilespmem:s11+$0x370] =	vst v0  }
0x28: {  	[tilespmem:s11+$0x300] =	vst v0  }
0x29: {  	[tilespmem:s11+$0x310] =	vst v0  }
.Ltmp0:
0x2a: {  	[tilespmem:s11+$0x320] =	vst v0;
	(pc) =	sbr.rel @p0 .LBB2_2-.Ltmp0, $4  }
0x2b: {  	[tilespmem:s11+$0x330] =	vst v0  }
0x2c: {  	[tilespmem:s11+$0x340] =	vst v0  }
0x2d: {  	[tilespmem:s11+$0x350] =	vst v0  }
0x2e: {  	[tilespmem:s11+$0x360] =	vst v0;
	s11 =	sshra.s32 s12, $0x2;
	s12 =	sadd.s32 $0x200, s12  }
0x2f: {  	[tilespmem:s11+$0x370] =	vst v0  }
0x30: {  	[tilespmem:s11+$0x300] =	vst v0  }
0x31: {  	[tilespmem:s11+$0x310] =	vst v0  }
0x32: {  	[tilespmem:s11+$0x320] =	vst v0  }
0x33: {  	[tilespmem:s11+$0x330] =	vst v0  }
0x34: {  	[tilespmem:s11+$0x340] =	vst v0  }
0x35: {  	[tilespmem:s11+$0x350] =	vst v0  }
0x36: {  	[tilespmem:s11+$0x360] =	vst v0  }
0x37: {  	[spmem:s7] =	stream.linear.scatter [tilespmem:s31], [sflag:$0x4], $0x4000, $0x38;
	[tilespmem:$0x1C300] =	vst v63  }
0x38: {  	_ =	swait.ge [sflag:s0], $0x4000  }
0x39: {  	[sflag:s0] =	ssyncset.done $0x0  }
0x3a: {  	s15 =	rddreg [dreg:$0x13];
	[sflag:s0] =	ssyncadd.s32 $0xFFFFC000  }
0x3b: {  	[spmem:s15] =	stream.linear.scatter [tilespmem:s31], [sflag:$0x4], $0x4000, $0x38;
	[tilespmem:$0x1C300] =	vst v63  }
0x3c: {  	_ =	swait.ge [sflag:s0], $0x4000  }
0x3d: {  	[sflag:s0] =	ssyncset.done $0x0  }
0x3e: {  	s16 =	rddreg [dreg:$0x14];
	[sflag:s0] =	ssyncadd.s32 $0xFFFFC000  }
0x3f: {  	[spmem:s16] =	stream.linear.scatter [tilespmem:s31], [sflag:$0x4], $0x4000, $0x38;
	[tilespmem:$0x1C300] =	vst v63  }
0x40: {  	_ =	swait.ge [sflag:s0], $0x4000  }
0x41: {  	[sflag:s0] =	ssyncset.done $0x0  }
0x42: {  	s18 =	rddreg [dreg:$0x15];
	[sflag:s0] =	ssyncadd.s32 $0xFFFFC000  }
0x43: {  	[spmem:s18] =	stream.linear.scatter [tilespmem:s31], [sflag:$0x4], $0x4000, $0x38;
	[tilespmem:$0x1C300] =	vst v63  }
0x44: {  	_ =	swait.ge [sflag:s0], $0x4000  }
0x45: {  	[sflag:s0] =	ssyncset.done $0x0  }
0x46: {  	s20 =	rddreg [dreg:$0x16];
	[sflag:s0] =	ssyncadd.s32 $0xFFFFC000  }
0x47: {  	[spmem:s20] =	stream.linear.scatter [tilespmem:s31], [sflag:$0x4], $0x4000, $0x38;
	[tilespmem:$0x1C300] =	vst v63  }
0x48: {  	_ =	swait.ge [sflag:s0], $0x4000  }
0x49: {  	[sflag:s0] =	ssyncset.done $0x0  }
0x4a: {  	[sflag:s0] =	ssyncadd.s32 $0xFFFFC000  }
0x4b: {  	[spmem:s8] =	stream.linear.scatter [tilespmem:s31], [sflag:$0x4], $0x0, $0x38;
	[tilespmem:$0x1C300] =	vst v63  }
0x4c: {  	_ =	swait.ge [sflag:s0], $0x0  }
0x4d: {  	[sflag:s0] =	ssyncset.done $0x0  }
0x4e: {  	[bflag:$0x0] =	sbarrier.arrive $0xFFFF  }
0x4f: {  	s15 =	simm.s32 $0x0;
	s21 =	rddreg [dreg:$0x4]  }
0x50: {  	[tilespmem:s15], [sflag:$0x4] =	stream.linear.gather [hbm4b:s21+s15], $0x80, $0x38;
	[tilespmem:$0x1C300] =	vst v63  }
0x51: {  	_ =	swait.ge [sflag:s0], $0x80  }
0x52: {  	[sflag:s0] =	ssyncset.done $0x0  }
0x53: {  	s22 =	simm.s32 $0x100;
	s12 =	rddreg [dreg:$0x5];
	[sflag:s0] =	ssyncadd.s32 $0xFFFFFF80  }
0x54: {  	[tilespmem:s22], [sflag:$0x4] =	stream.linear.gather [hbm4b:s12+s15], $0x80, $0x38;
	[tilespmem:$0x1C300] =	vst v63  }
0x55: {  	s25 =	simm.s32 $0x180;
	p0 =	por $0x1, $0x1;
	_ =	swait.ge [sflag:s0], $0x80  }
0x56: {  	s14 =	simm.s32 $0x2;
	p2 =	sle.u32 s6, $0x1;
	[sflag:s0] =	ssyncset.done $0x0  }
0x57: {  	s11 =	simm.s32 $0x1;
	s23 =	rddreg [dreg:$0x6];
	[sflag:s0] =	ssyncadd.s32 $0xFFFFFF80  }
0x58: {  	[tilespmem:s4], [sflag:$0x2] =	stream.linear.gather [hbm4b:s23+s15], $0x80, $0x38;
	[tilespmem:$0x1C300] =	vst v63  }
0x59: {  	p1 =	sne.s32 s6, $0x1;
	s13 =	simm.s32 $0x3;
	s24 =	rddreg [dreg:$0x7]  }
0x5a: {  	[tilespmem:s25], [sflag:$0x2] =	stream.linear.gather [hbm4b:s24+s15], $0x80, $0x38;
	[tilespmem:$0x1C300] =	vst v63  }
0x5b: {  	s16 =	simm.s32 @!p2 $0x2;
	s18 =	smulhi.u32 $0xAAAAAAAB, s14;
	s12 =	simm.s32 @!p0 $0x3  }
0x5c: {  	[tilespmem:s31], [sflag:$0x1] =	stream.indirect.gather [hbm4b:s5+s4], $0x80, s15, s4, $0xb8;
	[tilespmem:$0x1C300] =	vst v63  }
0x5d: {  	s18 =	sshrl.u32 s18, $0x1;
	s23 =	smulhi.u32 $0xAAAAAAAB, s15;
	_ =	swait.ge @!p0 [sflag:s12], $0x4000  }
0x5e: {  	s14 =	simm.s32 $0x280;
	s29 =	smul.u32 $0xFFFFFA00, s18;
	[sflag:s12] =	ssyncset.done @!p0 $0x0  }
0x5f: {  	s20 =	simm.s32 @!p2 $0x80;
	s23 =	sshrl.u32 s23, $0x1;
	[sflag:s12] =	ssyncadd.s32 @!p0 $0xFFFFC000  }
0x60: {  	s21 =	sxor.u32 $0xFFFFFFFF, s15;
	s23 =	smul.u32 $0xFFFFFA00, s23;
	_ =	swait.ge @!p2 [sflag:s16], $0x80  }
0x61: {  	s30 =	sshra.s32 s29, $0x2;
	s21 =	sand.u32 $0x1, s21;
	[sflag:s16] =	ssyncset.done @!p2 $0x0  }
0x62: {  	s15 =	sand.u32 $0x1, s15;
	s26 =	sshra.s32 s23, $0x2;
	[sflag:s16] =	ssyncadd.s32 @!p2 $0xFFFFFF80  }
0x63: {  	s28 =	sshll.u32 s15, $0xE;
	p0 =	sle.u32 s6, $0x2;
	_ =	swait.ge @!p2 [sflag:s16], $0x80  }
0x64: {  	s12 =	simm.s32 $0x180;
	s22 =	sand.u32 @!p0 $0xFFFFFF80, s19;
	[sflag:s16] =	ssyncset.done @!p2 $0x0  }
0x65: {  	s18 =	sshll.u32 @!p0 s15, $0x7;
	[sflag:s16] =	ssyncadd.s32 @!p2 $0xFFFFFF80;
	s16 =	sshll.u32 @!p2 s21, $0xE  }
0x66: {  	s15 =	sadd.s32 $0x80, s19;
	s21 =	sshll.u32 @!p2 s21, $0x7;
	s16 =	sor.u32 @!p2 $0x300, s16  }
0x67: {  	[tilespmem:s16], [sflag:$0x1] =	stream.indirect.gather @!p2 [hbm4b:s5+s20], $0x80, s21, s20, $0xb8;
	[tilespmem:$0x1C300] =	vst v63  }
.Ltmp1:
0x68: {  	s16 =	sadd.s32 $0x100, s26;
	_ =	swait.ge [sflag:s9], $0x4000;
	(pc) =	sbr.rel @!p1 .LBB2_5-.Ltmp1, $4  }
0x69: {  	s20 =	sor.u32 $0x300, s28;
	s21 =	sadd.s32 @!p0 $0x4E400, s22;
	[sflag:s9] =	ssyncset.done $0x0  }
0x6a: {  	s22 =	simm.s32 @!p0 $0x0;
	s23 =	sshrl.u32 @!p0 s21, $0x3;
	[sflag:s9] =	ssyncadd.s32 $0xFFFFC000  }
0x6b: {  	[spmem:s2] =	stream.indirect.scatter.add.f32 [tilespmem:s20], [sflag:$0x3], $0x80, s16, s4, $0xb8;
	[tilespmem:$0x1C300] =	vst v63  }
0x6c: {  	s21 =	smov.u32 s17;
	s20 =	sadd.s32 $0x200, s30;
	s16 =	smov.u32 s17  }
.LBB2_4:
0x6d: {  	s23 =	sadd.s32 @!p0 s1, s23;
	s21 =	sadd.s32 $0x10, s21;
	s24 =	smov.u32 s11  }
0x6e: {  	s11 =	sadd.s32 $0x1, s11;
	s25 =	smov.u32 s12;
	s26 =	smov.u32 s13  }
0x6f: {  	[tilespmem:s18], [sflag:$0x2] =	stream.linear.gather @!p0 [hbm4b:s16+s22], $0x80, $0x38;
	[tilespmem:$0x1C300] =	vst v63  }
0x70: {  	p3 =	seq.s32 s24, $0x0;
	s18 =	sadd.s32 $0x1, s11;
	p1 =	sne.s32 s11, s6  }
0x71: {  	[tilespmem:s20], [sflag:$0x2] =	stream.linear.gather @!p0 [hbm4b:s23+s22], $0x80, $0x38;
	[tilespmem:$0x1C300] =	vst v63  }
0x72: {  	s16 =	smov.u32 s21;
	s20 =	simm.s32 @!p3 $0x3;
	s22 =	smov.u32 s14  }
0x73: {  	_ =	swait.ge @!p3 [sflag:s20], $0x4000  }
0x74: {  	s12 =	sadd.s32 $0x80, s12;
	p2 =	sge.u32 s11, s6;
	[sflag:s20] =	ssyncset.done @!p3 $0x0  }
0x75: {  	s13 =	sadd.s32 $0x1, s13;
	[sflag:s20] =	ssyncadd.s32 @!p3 $0xFFFFC000;
	s20 =	simm.s32 @!p2 $0x2  }
0x76: {  	s23 =	smulhi.u32 $0xAAAAAAAB, s26;
	s14 =	sadd.s32 $0x80, s14;
	_ =	swait.ge @!p2 [sflag:s20], $0x80  }
0x77: {  	s26 =	simm.s32 @!p2 $0x80;
	p0 =	sge.u32 s18, s6;
	[sflag:s20] =	ssyncset.done @!p2 $0x0  }
0x78: {  	s18 =	sxor.u32 $0xFFFFFFFF, s24;
	s28 =	sand.u32 @!p0 $0xFFFFFF80, s15;
	[sflag:s20] =	ssyncadd.s32 @!p2 $0xFFFFFF80  }
0x79: {  	s29 =	smulhi.u32 $0xAAAAAAAB, s24;
	s18 =	sand.u32 $0x1, s18;
	_ =	swait.ge @!p2 [sflag:s20], $0x80  }
0x7a: {  	s23 =	sshrl.u32 s23, $0x1;
	s30 =	sshll.u32 @!p2 s18, $0xE;
	[sflag:s20] =	ssyncset.done @!p2 $0x0  }
0x7b: {  	s29 =	sshrl.u32 s29, $0x1;
	s18 =	sshll.u32 @!p2 s18, $0x7;
	[sflag:s20] =	ssyncadd.s32 @!p2 $0xFFFFFF80  }
0x7c: {  	s24 =	sand.u32 $0x1, s24;
	s20 =	smul.u32 $0xFFFFFA00, s29;
	s29 =	sor.u32 @!p2 $0x300, s30  }
0x7d: {  	[tilespmem:s29], [sflag:$0x1] =	stream.indirect.gather @!p2 [hbm4b:s5+s26], $0x80, s18, s26, $0xb8;
	[tilespmem:$0x1C300] =	vst v63  }
0x7e: {  	s18 =	sshra.s32 s20, $0x2  }
0x7f: {  	s20 =	sshll.u32 s24, $0xE;
	_ =	swait.ge [sflag:s9], $0x4000;
	s25 =	sadd.s32 s18, s25  }
.Ltmp2:
0x80: {  	s20 =	sor.u32 $0x300, s20;
	[sflag:s9] =	ssyncset.done $0x0;
	(pc) =	sbr.rel @p1 .LBB2_4-.Ltmp2, $4  }
0x81: {  	s23 =	smul.u32 $0xFFFFFA00, s23;
	s18 =	sshll.u32 @!p0 s24, $0x7;
	[sflag:s9] =	ssyncadd.s32 $0xFFFFC000  }
0x82: {  	[spmem:s2] =	stream.indirect.scatter.add.f32 [tilespmem:s20], [sflag:$0x3], $0x80, s25, s4, $0xb8;
	[tilespmem:$0x1C300] =	vst v63  }
0x83: {  	s15 =	sadd.s32 $0x80, s15;
	s20 =	sshra.s32 s23, $0x2;
	s23 =	sadd.s32 @!p0 $0x4E400, s28  }
0x84: {  	s20 =	sadd.s32 s20, s22;
	s22 =	simm.s32 @!p0 $0x0;
	s23 =	sshrl.u32 @!p0 s23, $0x3  }
.LBB2_5:
0x85: {  	[tilespmem:s18], [sflag:$0x2] =	stream.linear.gather @!p0 [hbm4b:s16+s22], $0x80, $0x38;
	[tilespmem:$0x1C300] =	vst v63  }
0x86: {  	s11 =	sadd.s32 @!p0 s1, s23  }
0x87: {  	[tilespmem:s20], [sflag:$0x2] =	stream.linear.gather @!p0 [hbm4b:s11+s22], $0x80, $0x38;
	[tilespmem:$0x1C300] =	vst v63  }
0x88: {  	_ =	swait.ge [sflag:s10], $0x4000  }
0x89: {  	[sflag:s10] =	ssyncset.done $0x0  }
0x8a: {  	s16 =	stileid.u32;
	[sflag:s10] =	ssyncadd.s32 $0xFFFFC000  }
0x8b: {  	s11 =	sshll.u32 s16, $0x6;
	[bflag:$0x0] =	sbarrier.arrive $0xFFFF  }
0x8c: {  	s12 =	sshrl.u32 s7, $0x3;
	s11 =	sadd.s32 $0x1C04, s11;
	s13 =	rddreg [dreg:$0x9]  }
0x8d: {  	[hbm:s13], [sflag:s11] =	dma.local [spmem:s12], $0x800  }
0x8e: {  	_ =	swait.ge [sflag:s0], $0x800  }
0x8f: {  	[sflag:s0] =	ssyncset.done $0x0;
	s18 =	rddreg [dreg:$0xb]  }
0x90: {  	s20 =	rddreg [dreg:$0xf];
	[sflag:s0] =	ssyncadd.s32 $0xFFFFF800  }
0x91: {  	[hbm:s18], [sflag:s11] =	dma.local [spmem:s20], $0x800  }
0x92: {  	_ =	swait.ge [sflag:s0], $0x800  }
0x93: {  	[sflag:s0] =	ssyncset.done $0x0;
	s21 =	rddreg [dreg:$0xc]  }
0x94: {  	s22 =	rddreg [dreg:$0x10];
	[sflag:s0] =	ssyncadd.s32 $0xFFFFF800  }
0x95: {  	[hbm:s21], [sflag:s11] =	dma.local [spmem:s22], $0x800  }
0x96: {  	_ =	swait.ge [sflag:s0], $0x800  }
0x97: {  	[sflag:s0] =	ssyncset.done $0x0;
	s23 =	rddreg [dreg:$0xd]  }
0x98: {  	s24 =	rddreg [dreg:$0x11];
	[sflag:s0] =	ssyncadd.s32 $0xFFFFF800  }
0x99: {  	[hbm:s23], [sflag:s11] =	dma.local [spmem:s24], $0x800  }
0x9a: {  	_ =	swait.ge [sflag:s0], $0x800  }
0x9b: {  	[sflag:s0] =	ssyncset.done $0x0;
	s25 =	rddreg [dreg:$0xe]  }
0x9c: {  	s26 =	rddreg [dreg:$0x12];
	[sflag:s0] =	ssyncadd.s32 $0xFFFFF800  }
0x9d: {  	[hbm:s25], [sflag:s11] =	dma.local [spmem:s26], $0x800  }
0x9e: {  	_ =	swait.ge [sflag:s0], $0x800  }
0x9f: {  	[sflag:s0] =	ssyncset.done $0x0  }
0xa0: {  	s28 =	sshrl.u32 s8, $0x3;
	s29 =	rddreg [dreg:$0x8];
	[sflag:s0] =	ssyncadd.s32 $0xFFFFF800  }
0xa1: {  	[hbm:s29], [sflag:s11] =	dma.local [spmem:s28], $0x0  }
0xa2: {  	_ =	swait.ge [sflag:s0], $0x0  }
0xa3: {  	s3 =	sadd.s32 $0x1, s3;
	s30 =	rddreg [dreg:$0xa]  }
0xa4: {  	p0 =	sne.s32 s3, s30  }
.Ltmp3:
0xa5: {  	_ = 	snop;
	(pc) =	sbr.rel @p0 .LBB2_1-.Ltmp3, $2  }
0xa6: {  	_ =	sdelay $0x2  }
0xa7: {  	[sflag:s0] =	ssyncset.done $0x0  }
0xa8: {  	_ =	sfence.sel $0x180000  }
0xa9: {  	[bflag:$0x0] =	sbarrier.arrive $0xFFFF  }
0xaa: {  	_ =	strace $0x9000004A  }
0xab: {  	s0 =	stileid.u32;
	[bflag:$0x2] =	sbarrier.arrive $0xFFFF  }
0xac: {  	p0 =	sne.s32 s0, $0x0;
	s0 =	rddreg [dreg:$0x3]  }
0xad: {  	s0 =	sadd.s32 @!p0 $0x100000, s0  }
0xae: {  	[sflag:s0] =	ssyncadd.tile.s32 @!p0 $0x1;
	_ =	shalt  }
.Lfunc_end2:
_tile_overlayer_lowered:
.L_overlay_start_2:
0xaf: {  	(tag) =	ssettag $0x2  }
0xb0: {  	s0 =	rddreg [dreg:$0x0];
	s2 =	stileid.u32  }
0xb1: {  	s1 =	rddreg [dreg:$0x1];
	p0 =	sne.s32 s2, $0x0  }
0xb2: {  	s3 =	rddreg [dreg:$0x2];
	[bflag:$0x3] =	sbarrier.arrive $0xFFFF;
	s2 =	simm.s32 @!p0 $0x1C04  }
0xb3: {  	[timem:s3], [sflag:s2] =	dma.local @!p0 [hbm:s0], s1  }
0xb4: {  	s0 =	simm.s32 @!p0 $0x4  }
0xb5: {  	_ =	swait.ge @!p0 [sflag:s0], s1  }
0xb6: {  	s1 =	ssub.s32 @!p0 $0x0, s1;
	[sflag:s0] =	ssyncset.done @!p0 $0x0  }
0xb7: {  	[sflag:s0] =	ssyncadd.s32 @!p0 s1  }
0xb8: {  	[bflag:$0x3] =	sbarrier.arrive $0xFFFF  }
0xb9: {  	_ =	shalt  }

</sc_bundles>
